<compile_context>
chip_gen: v7x
topology: tpu7x:2x2x1
jax: 0.10.2.dev20260603
libtpu: 0.0.44.dev20260713+nightly
codegen_flags: <defaults>
</compile_context>

<pallas_src>
import dataclasses
import functools

import jax
import jax.numpy as jnp
from jax import lax
from jax.experimental import pallas as pl
from jax.experimental.pallas import tpu as pltpu
from jax.experimental.pallas import tpu_sc as plsc

B = 16
T_OUT = 375
V = 16384
D = 1280
TOTAL_TOK = 6000

SLOT = 384
HALF = SLOT // 2
CH = 32
NCH = HALF // CH


def _sc_gather(flat_tokens, cu, codebook):
    mesh = plsc.VectorSubcoreMesh(core_axis_name="c", subcore_axis_name="s")
    cp = pltpu.CompilerParams()
    if "needs_layout_passes" in pltpu.CompilerParams.__dataclass_fields__:
        cp = dataclasses.replace(cp, needs_layout_passes=False)

    @functools.partial(
        pl.kernel,
        mesh=mesh,
        compiler_params=cp,
        out_type=jax.ShapeDtypeStruct((B * SLOT, D), jnp.float32),
        scratch_types=[
            pltpu.VMEM((TOTAL_TOK,), jnp.int32),
            pltpu.VMEM((32,), jnp.int32),
            pltpu.VMEM((CH,), jnp.int32),
            pltpu.VMEM((CH,), jnp.int32),
            pltpu.VMEM((CH, D), jnp.float32),
            pltpu.VMEM((CH, D), jnp.float32),
            pltpu.SemaphoreType.DMA,
            pltpu.SemaphoreType.DMA,
        ],
    )
    def sck(ft_hbm, cu_hbm, cb_hbm, out_hbm,
            ftbuf, cubuf, idx0, idx1, rows0, rows1, gsem, wsem):
        wid = lax.axis_index("s") * 2 + lax.axis_index("c")
        b = wid // 2
        h = wid % 2

        pltpu.sync_copy(ft_hbm, ftbuf)
        pltpu.sync_copy(cu_hbm, cubuf.at[pl.ds(0, B + 1)])

        lanes = lax.iota(jnp.int32, 16)
        bsplat = jnp.full((16,), 0, jnp.int32) + b
        cu_b_v = plsc.load_gather(cubuf, [bsplat])

        row0 = b * SLOT + h * HALF
        idxs = (idx0, idx1)
        rows = (rows0, rows1)

        def fill_idx(buf, j):
            for c in range(CH // 16):
                posv = cu_b_v + (h * HALF + j * CH + c * 16) + lanes
                posv = jnp.minimum(posv, TOTAL_TOK - 1)
                buf[pl.ds(c * 16, 16)] = plsc.load_gather(ftbuf, [posv])

        gathers = {}
        writes = {}
        fill_idx(idx0, 0)
        gathers[0] = pltpu.async_copy(cb_hbm.at[idx0], rows0, gsem)
        for j in range(NCH):
            pb = j % 2
            nb = 1 - pb
            if j >= 1:
                writes[j - 1].wait()
            if j + 1 < NCH:
                fill_idx(idxs[nb], j + 1)
                gathers[j + 1] = pltpu.async_copy(cb_hbm.at[idxs[nb]], rows[nb], gsem)
            gathers[j].wait()
            writes[j] = pltpu.async_copy(
                rows[pb], out_hbm.at[pl.ds(row0 + j * CH, CH)], wsem)
        writes[NCH - 1].wait()

    return sck(flat_tokens, cu, codebook)


DBLK = 256
NDBLK = D // DBLK


def _tc_body(cu_ref, g_ref, out_ref, len_ref):
    b = pl.program_id(0)
    l_raw = cu_ref[b + 1] - cu_ref[b]
    len_ref[b] = l_raw
    l_eff = jnp.minimum(l_raw, T_OUT)
    x = g_ref[...]
    xt = jnp.transpose(x)
    tcol = lax.broadcasted_iota(jnp.int32, (DBLK, T_OUT), 1)
    out_ref[0] = jnp.where(tcol < l_eff, xt[:, :T_OUT], 0.0)


def _tc_transpose(gathered, cu):
    return pl.pallas_call(
        _tc_body,
        grid=(B, NDBLK),
        in_specs=[
            pl.BlockSpec(memory_space=pltpu.SMEM),
            pl.BlockSpec((SLOT, DBLK), lambda b, k: (b, k)),
        ],
        out_specs=[
            pl.BlockSpec((1, DBLK, T_OUT), lambda b, k: (b, k, 0)),
            pl.BlockSpec(memory_space=pltpu.SMEM, index_map=lambda b, k: (0,)),
        ],
        out_shape=[
            jax.ShapeDtypeStruct((B, D, T_OUT), jnp.float32),
            jax.ShapeDtypeStruct((B,), jnp.int32),
        ],
    )(cu, gathered)


@jax.jit
def kernel(flat_tokens, cu_seqlens, codebook):
    ft = flat_tokens.astype(jnp.int32)
    cu = cu_seqlens.astype(jnp.int32)
    gathered = _sc_gather(ft, cu, codebook)
    out, lengths = _tc_transpose(gathered, cu)
    return out, lengths

# --- scband reference (transcript-rebuilt; emitter-appended) ---
"""Pipeline reference for scband-glm4-encoder-56590489092551 (READ-ONLY COPY).

The authoritative reference and input builder live on the scoring server;
editing this copy changes nothing except your own understanding.
"""

import jax, jax.numpy as jnp
import numpy as np

B = 16
OUTPUT_LENGTH = 375
V = 16384
D = 1280
TOTAL_TOK = 6000


def setup_inputs(seed: int = 0) -> dict:
    key = jax.random.key(seed)
    k1, k2, k3 = jax.random.split(key, 3)
    flat_tokens = jax.random.randint(k1, (TOTAL_TOK,), 0, V)
    cu_seqlens = jnp.sort(jax.random.randint(k2, (B + 1,), 0, TOTAL_TOK))
    codebook = jax.random.normal(k3, (V, D), dtype=jnp.float32)
    return {"flat_tokens": flat_tokens, "cu_seqlens": cu_seqlens, "codebook": codebook}


def reference(flat_tokens, cu_seqlens, codebook):
    # Ragged layout: sequence i occupies flat_tokens[cu_seqlens[i]:cu_seqlens[i+1]].
    total = flat_tokens.shape[0]
    pos_idx = jnp.arange(total)
    # segment id for each flat token
    seg = jnp.searchsorted(cu_seqlens, pos_idx, side='right') - 1
    base = jnp.take(cu_seqlens, jnp.clip(seg, 0, B))
    within = pos_idx - base
    valid = (seg >= 0) & (seg < B) & (within >= 0) & (within < OUTPUT_LENGTH)
    # codebook embedding lookup (gather), mirrors codebook.weight[audio_tokens]
    emb = jnp.take(codebook, flat_tokens, axis=0)
    # scatter into zero-padded [B, 375, D]; invalid writes routed to sentinel row B
    row = jnp.where(valid, seg, B)
    col = jnp.where(valid, within, 0)
    out = jnp.zeros((B + 1, OUTPUT_LENGTH, D), dtype=codebook.dtype)
    out = out.at[row, col].set(emb)
    out = out[:B]
    # transpose(1, 2): [B, 375, D] -> [B, D, 375]
    out = jnp.transpose(out, (0, 2, 1))
    # output_lengths are the raw (pre-truncation) per-sequence lengths
    output_lengths = cu_seqlens[1:] - cu_seqlens[:-1]
    return (out, output_lengths)

if __name__ == "__main__":
    import jax
    _d = setup_inputs()
    print(jax.jit(kernel)(*tuple(_d.values())))

</pallas_src>

<mosaic_0001>
#map = affine_map<(d0, d1) -> (0)>
#map1 = affine_map<(d0, d1) -> (0, 0)>
module attributes {stable_mosaic.version = 14 : i64} {
  func.func @sck(%arg0: i32, %arg1: i32, %arg2: memref<6000xi32, #tpu.memory_space<hbm>>, %arg3: memref<17xi32, #tpu.memory_space<hbm>>, %arg4: memref<16384x1280xf32, #tpu.memory_space<hbm>>, %arg5: memref<6144x1280xf32, #tpu.memory_space<hbm>>, %arg6: memref<6000xi32, #tpu.memory_space<vmem>>, %arg7: memref<32xi32, #tpu.memory_space<vmem>>, %arg8: memref<32xi32, #tpu.memory_space<vmem>>, %arg9: memref<32xi32, #tpu.memory_space<vmem>>, %arg10: memref<32x1280xf32, #tpu.memory_space<vmem>>, %arg11: memref<32x1280xf32, #tpu.memory_space<vmem>>, %arg12: memref<!tpu.dma_semaphore, #tpu.memory_space<semaphore_mem>>, %arg13: memref<!tpu.dma_semaphore, #tpu.memory_space<semaphore_mem>>) attributes {dimension_semantics = [#tpu.dimension_semantics<core_parallel>, #tpu.dimension_semantics<subcore_parallel>], iteration_bounds = array<i64: 2, 16>, scalar_prefetch = 0 : i64, scratch_operands = 8 : i64, tpu.core_type = #tpu.core_type<sc_vector_subcore>, window_params = [{transform_indices = #map}, {transform_indices = #map}, {transform_indices = #map1}, {transform_indices = #map1}]} {
    %mul3A = arith.constant 2 : i32
    %mul3A_0 = arith.muli %arg1, %mul3A : i32
    %add3A = arith.addi %mul3A_0, %arg0 : i32
    %jit3A = arith.constant 2 : i32
    %div3A = arith.divsi %add3A, %jit3A : i32
    %sign3A = arith.constant 0 : i32
    %sign3A_1 = arith.cmpi sgt, %add3A, %sign3A : i32
    %sign3A_2 = arith.extui %sign3A_1 : i1 to i32
    %sign3A_3 = arith.constant 0 : i32
    %sign3A_4 = arith.cmpi slt, %add3A, %sign3A_3 : i32
    %sign3A_5 = arith.extui %sign3A_4 : i1 to i32
    %sign3A_6 = arith.subi %sign3A_2, %sign3A_5 : i32
    %sign3A_7 = arith.constant 0 : i32
    %sign3A_8 = arith.cmpi sgt, %jit3A, %sign3A_7 : i32
    %sign3A_9 = arith.extui %sign3A_8 : i1 to i32
    %sign3A_10 = arith.constant 0 : i32
    %sign3A_11 = arith.cmpi slt, %jit3A, %sign3A_10 : i32
    %sign3A_12 = arith.extui %sign3A_11 : i1 to i32
    %sign3A_13 = arith.subi %sign3A_9, %sign3A_12 : i32
    %ne3A = arith.cmpi ne, %sign3A_6, %sign3A_13 : i32
    %rem3A = arith.remsi %add3A, %jit3A : i32
    %ne3A_14 = arith.constant 0 : i32
    %ne3A_15 = arith.cmpi ne, %rem3A, %ne3A_14 : i32
    %and3A = arith.andi %ne3A, %ne3A_15 : i1
    %sub3A = arith.constant 1 : i32
    %sub3A_16 = arith.subi %div3A, %sub3A : i32
    %select_n3A = arith.select %and3A, %sub3A_16, %div3A : i32
    %jit3A_17 = arith.constant 2 : i32
    %eq3A = arith.constant 0 : i32
    %eq3A_18 = arith.cmpi eq, %jit3A_17, %eq3A : i32
    %jit3A_19 = arith.constant 1 : i32
    %select_n3A_20 = arith.select %eq3A_18, %jit3A_19, %jit3A_17 : i32
    %rem3A_21 = arith.remsi %add3A, %select_n3A_20 : i32
    %ne3A_22 = arith.constant 0 : i32
    %ne3A_23 = arith.cmpi ne, %rem3A_21, %ne3A_22 : i32
    %lt3A = arith.constant 0 : i32
    %lt3A_24 = arith.cmpi slt, %rem3A_21, %lt3A : i32
    %lt3A_25 = arith.constant 0 : i32
    %lt3A_26 = arith.cmpi slt, %select_n3A_20, %lt3A_25 : i32
    %ne3A_27 = arith.xori %lt3A_24, %lt3A_26 : i1
    %and3A_28 = arith.andi %ne3A_27, %ne3A_23 : i1
    %add3A_29 = arith.addi %rem3A_21, %select_n3A_20 : i32
    %select_n3A_30 = arith.select %and3A_28, %add3A_29, %rem3A_21 : i32
    "tpu.region"() ({
      %run_scoped3A = tpu.sem_alloc : memref<!tpu.dma_semaphore, #tpu.memory_space<semaphore_mem>>
      tpu.enqueue_dma source(%arg2 : memref<6000xi32, #tpu.memory_space<hbm>>) target(%arg6 : memref<6000xi32, #tpu.memory_space<vmem>>) target_semaphore(%run_scoped3A : memref<!tpu.dma_semaphore, #tpu.memory_space<semaphore_mem>>)
      tpu.wait_dma2 semaphore(%run_scoped3A : memref<!tpu.dma_semaphore, #tpu.memory_space<semaphore_mem>>) src(%arg2 : memref<6000xi32, #tpu.memory_space<hbm>>) dst(%arg6 : memref<6000xi32, #tpu.memory_space<vmem>>)
      tpu.yield
    }) : () -> ()
    "tpu.region"() ({
      %run_scoped3A = tpu.sem_alloc : memref<!tpu.dma_semaphore, #tpu.memory_space<semaphore_mem>>
      %dma_start3A_311 = arith.constant 0 : i32
      %dma_start3A_312 = tpu.memref_slice %arg7[%dma_start3A_311] : memref<32xi32, #tpu.memory_space<vmem>> -> memref<17xi32, #tpu.memory_space<vmem>>
      %dma_start3A_313 = arith.constant 0 : i32
      %dma_start3A_314 = tpu.memref_slice %arg7[%dma_start3A_313] : memref<32xi32, #tpu.memory_space<vmem>> -> memref<17xi32, #tpu.memory_space<vmem>>
      tpu.enqueue_dma source(%arg3 : memref<17xi32, #tpu.memory_space<hbm>>) target(%dma_start3A_314 : memref<17xi32, #tpu.memory_space<vmem>>) target_semaphore(%run_scoped3A : memref<!tpu.dma_semaphore, #tpu.memory_space<semaphore_mem>>)
      %dma_wait3A_315 = arith.constant 0 : i32
      %dma_wait3A_316 = tpu.memref_slice %arg7[%dma_wait3A_315] : memref<32xi32, #tpu.memory_space<vmem>> -> memref<17xi32, #tpu.memory_space<vmem>>
      %dma_wait3A_317 = arith.constant 0 : i32
      %dma_wait3A_318 = tpu.memref_slice %arg7[%dma_wait3A_317] : memref<32xi32, #tpu.memory_space<vmem>> -> memref<17xi32, #tpu.memory_space<vmem>>
      tpu.wait_dma2 semaphore(%run_scoped3A : memref<!tpu.dma_semaphore, #tpu.memory_space<semaphore_mem>>) src(%arg3 : memref<17xi32, #tpu.memory_space<hbm>>) dst(%dma_wait3A_318 : memref<17xi32, #tpu.memory_space<vmem>>)
      tpu.yield
    }) : () -> ()
    %iota3A = tpu.iota {dimensions = array<i32: 0>} : vector<16xi32>
    %broadcast_in_dim3A = arith.constant 0 : i32
    %broadcast_in_dim3A_31 = vector.broadcast %broadcast_in_dim3A : i32 to vector<16xi32>
    %add3A_32 = vector.broadcast %select_n3A : i32 to vector<16xi32>
    %add3A_33 = arith.addi %broadcast_in_dim3A_31, %add3A_32 : vector<16xi32>
    %gather3A = tpu.vector_load_idx %arg7[%add3A_33] : memref<32xi32, #tpu.memory_space<vmem>>[vector<16xi32>], vector<16xi32>,
    %mul3A_34 = arith.constant 384 : i32
    %mul3A_35 = arith.muli %select_n3A, %mul3A_34 : i32
    %mul3A_36 = arith.constant 192 : i32
    %mul3A_37 = arith.muli %select_n3A_30, %mul3A_36 : i32
    %add3A_38 = arith.addi %mul3A_35, %mul3A_37 : i32
    %mul3A_39 = arith.constant 192 : i32
    %mul3A_40 = arith.muli %select_n3A_30, %mul3A_39 : i32
    %add3A_41 = arith.constant 0 : i32
    %add3A_42 = arith.addi %mul3A_40, %add3A_41 : i32
    %add3A_43 = arith.constant 0 : i32
    %add3A_44 = arith.addi %add3A_42, %add3A_43 : i32
    %add3A_45 = vector.broadcast %add3A_44 : i32 to vector<16xi32>
    %add3A_46 = arith.addi %gather3A, %add3A_45 : vector<16xi32>
    %add3A_47 = arith.addi %add3A_46, %iota3A : vector<16xi32>
    %min3A = arith.constant 5999 : i32
    %min3A_48 = vector.broadcast %min3A : i32 to vector<16xi32>
    %min3A_49 = arith.minsi %add3A_47, %min3A_48 : vector<16xi32>
    %gather3A_50 = tpu.vector_load_idx %arg6[%min3A_49] : memref<6000xi32, #tpu.memory_space<vmem>>[vector<16xi32>], vector<16xi32>,
    %swap3A = arith.constant 0 : index
    %swap3A_51 = tpu.vector_load %arg8[%swap3A] {strides = array<i32>} : memref<32xi32, #tpu.memory_space<vmem>>, vector<16xi32>,
    tpu.vector_store %arg8[%swap3A], %gather3A_50 {strides = array<i32>} : memref<32xi32, #tpu.memory_space<vmem>>, vector<16xi32>,
    %mul3A_52 = arith.constant 192 : i32
    %mul3A_53 = arith.muli %select_n3A_30, %mul3A_52 : i32
    %add3A_54 = arith.constant 0 : i32
    %add3A_55 = arith.addi %mul3A_53, %add3A_54 : i32
    %add3A_56 = arith.constant 16 : i32
    %add3A_57 = arith.addi %add3A_55, %add3A_56 : i32
    %add3A_58 = vector.broadcast %add3A_57 : i32 to vector<16xi32>
    %add3A_59 = arith.addi %gather3A, %add3A_58 : vector<16xi32>
    %add3A_60 = arith.addi %add3A_59, %iota3A : vector<16xi32>
    %min3A_61 = arith.constant 5999 : i32
    %min3A_62 = vector.broadcast %min3A_61 : i32 to vector<16xi32>
    %min3A_63 = arith.minsi %add3A_60, %min3A_62 : vector<16xi32>
    %gather3A_64 = tpu.vector_load_idx %arg6[%min3A_63] : memref<6000xi32, #tpu.memory_space<vmem>>[vector<16xi32>], vector<16xi32>,
    %swap3A_65 = arith.constant 16 : index
    %swap3A_66 = tpu.vector_load %arg8[%swap3A_65] {strides = array<i32>} : memref<32xi32, #tpu.memory_space<vmem>>, vector<16xi32>,
    tpu.vector_store %arg8[%swap3A_65], %gather3A_64 {strides = array<i32>} : memref<32xi32, #tpu.memory_space<vmem>>, vector<16xi32>,
    %dma_start3A = arith.constant 0 : i32
    %dma_start3A_67 = arith.constant 0 : i32
    %dma_start3A_68 = tpu.memref_slice %arg4[%dma_start3A, %dma_start3A_67] : memref<16384x1280xf32, #tpu.memory_space<hbm>> -> memref<16384x1280xf32, #tpu.memory_space<hbm>>
    tpu.enqueue_indirect_dma source(%dma_start3A_68 : memref<16384x1280xf32, #tpu.memory_space<hbm>>) target(%arg10 : memref<32x1280xf32, #tpu.memory_space<vmem>>) offsets(%arg8 : memref<32xi32, #tpu.memory_space<vmem>>) semaphore(%arg12 : memref<!tpu.dma_semaphore, #tpu.memory_space<semaphore_mem>>)
    %mul3A_69 = arith.constant 192 : i32
    %mul3A_70 = arith.muli %select_n3A_30, %mul3A_69 : i32
    %add3A_71 = arith.constant 32 : i32
    %add3A_72 = arith.addi %mul3A_70, %add3A_71 : i32
    %add3A_73 = arith.constant 0 : i32
    %add3A_74 = arith.addi %add3A_72, %add3A_73 : i32
    %add3A_75 = vector.broadcast %add3A_74 : i32 to vector<16xi32>
    %add3A_76 = arith.addi %gather3A, %add3A_75 : vector<16xi32>
    %add3A_77 = arith.addi %add3A_76, %iota3A : vector<16xi32>
    %min3A_78 = arith.constant 5999 : i32
    %min3A_79 = vector.broadcast %min3A_78 : i32 to vector<16xi32>
    %min3A_80 = arith.minsi %add3A_77, %min3A_79 : vector<16xi32>
    %gather3A_81 = tpu.vector_load_idx %arg6[%min3A_80] : memref<6000xi32, #tpu.memory_space<vmem>>[vector<16xi32>], vector<16xi32>,
    %swap3A_82 = arith.constant 0 : index
    %swap3A_83 = tpu.vector_load %arg9[%swap3A_82] {strides = array<i32>} : memref<32xi32, #tpu.memory_space<vmem>>, vector<16xi32>,
    tpu.vector_store %arg9[%swap3A_82], %gather3A_81 {strides = array<i32>} : memref<32xi32, #tpu.memory_space<vmem>>, vector<16xi32>,
    %mul3A_84 = arith.constant 192 : i32
    %mul3A_85 = arith.muli %select_n3A_30, %mul3A_84 : i32
    %add3A_86 = arith.constant 32 : i32
    %add3A_87 = arith.addi %mul3A_85, %add3A_86 : i32
    %add3A_88 = arith.constant 16 : i32
    %add3A_89 = arith.addi %add3A_87, %add3A_88 : i32
    %add3A_90 = vector.broadcast %add3A_89 : i32 to vector<16xi32>
    %add3A_91 = arith.addi %gather3A, %add3A_90 : vector<16xi32>
    %add3A_92 = arith.addi %add3A_91, %iota3A : vector<16xi32>
    %min3A_93 = arith.constant 5999 : i32
    %min3A_94 = vector.broadcast %min3A_93 : i32 to vector<16xi32>
    %min3A_95 = arith.minsi %add3A_92, %min3A_94 : vector<16xi32>
    %gather3A_96 = tpu.vector_load_idx %arg6[%min3A_95] : memref<6000xi32, #tpu.memory_space<vmem>>[vector<16xi32>], vector<16xi32>,
    %swap3A_97 = arith.constant 16 : index
    %swap3A_98 = tpu.vector_load %arg9[%swap3A_97] {strides = array<i32>} : memref<32xi32, #tpu.memory_space<vmem>>, vector<16xi32>,
    tpu.vector_store %arg9[%swap3A_97], %gather3A_96 {strides = array<i32>} : memref<32xi32, #tpu.memory_space<vmem>>, vector<16xi32>,
    %dma_start3A_99 = arith.constant 0 : i32
    %dma_start3A_100 = arith.constant 0 : i32
    %dma_start3A_101 = tpu.memref_slice %arg4[%dma_start3A_99, %dma_start3A_100] : memref<16384x1280xf32, #tpu.memory_space<hbm>> -> memref<16384x1280xf32, #tpu.memory_space<hbm>>
    tpu.enqueue_indirect_dma source(%dma_start3A_101 : memref<16384x1280xf32, #tpu.memory_space<hbm>>) target(%arg11 : memref<32x1280xf32, #tpu.memory_space<vmem>>) offsets(%arg9 : memref<32xi32, #tpu.memory_space<vmem>>) semaphore(%arg12 : memref<!tpu.dma_semaphore, #tpu.memory_space<semaphore_mem>>)
    %dma_wait3A = arith.constant 0 : i32
    %dma_wait3A_102 = arith.constant 0 : i32
    %dma_wait3A_103 = tpu.memref_slice %arg4[%dma_wait3A, %dma_wait3A_102] : memref<16384x1280xf32, #tpu.memory_space<hbm>> -> memref<16384x1280xf32, #tpu.memory_space<hbm>>
    tpu.wait_indirect_dma semaphore(%arg12 : memref<!tpu.dma_semaphore, #tpu.memory_space<semaphore_mem>>) src(%dma_wait3A_103 : memref<16384x1280xf32, #tpu.memory_space<hbm>>) dst(%arg10 : memref<32x1280xf32, #tpu.memory_space<vmem>>)
    %add3A_104 = arith.constant 0 : i32
    %add3A_105 = arith.addi %add3A_38, %add3A_104 : i32
    %dma_start3A_106 = arith.constant 0 : i32
    %dma_start3A_107 = tpu.memref_slice %arg5[%add3A_105, %dma_start3A_106] : memref<6144x1280xf32, #tpu.memory_space<hbm>> -> memref<32x1280xf32, #tpu.memory_space<hbm>>
    %dma_start3A_108 = arith.constant 0 : i32
    %dma_start3A_109 = tpu.memref_slice %arg5[%add3A_105, %dma_start3A_108] : memref<6144x1280xf32, #tpu.memory_space<hbm>> -> memref<32x1280xf32, #tpu.memory_space<hbm>>
    tpu.enqueue_dma source(%arg10 : memref<32x1280xf32, #tpu.memory_space<vmem>>) target(%dma_start3A_109 : memref<32x1280xf32, #tpu.memory_space<hbm>>) target_semaphore(%arg13 : memref<!tpu.dma_semaphore, #tpu.memory_space<semaphore_mem>>)
    %dma_wait3A_110 = arith.constant 0 : i32
    %dma_wait3A_111 = tpu.memref_slice %arg5[%add3A_105, %dma_wait3A_110] : memref<6144x1280xf32, #tpu.memory_space<hbm>> -> memref<32x1280xf32, #tpu.memory_space<hbm>>
    %dma_wait3A_112 = arith.constant 0 : i32
    %dma_wait3A_113 = tpu.memref_slice %arg5[%add3A_105, %dma_wait3A_112] : memref<6144x1280xf32, #tpu.memory_space<hbm>> -> memref<32x1280xf32, #tpu.memory_space<hbm>>
    tpu.wait_dma2 semaphore(%arg13 : memref<!tpu.dma_semaphore, #tpu.memory_space<semaphore_mem>>) src(%arg10 : memref<32x1280xf32, #tpu.memory_space<vmem>>) dst(%dma_wait3A_113 : memref<32x1280xf32, #tpu.memory_space<hbm>>)
    %mul3A_114 = arith.constant 192 : i32
    %mul3A_115 = arith.muli %select_n3A_30, %mul3A_114 : i32
    %add3A_116 = arith.constant 64 : i32
    %add3A_117 = arith.addi %mul3A_115, %add3A_116 : i32
    %add3A_118 = arith.constant 0 : i32
    %add3A_119 = arith.addi %add3A_117, %add3A_118 : i32
    %add3A_120 = vector.broadcast %add3A_119 : i32 to vector<16xi32>
    %add3A_121 = arith.addi %gather3A, %add3A_120 : vector<16xi32>
    %add3A_122 = arith.addi %add3A_121, %iota3A : vector<16xi32>
    %min3A_123 = arith.constant 5999 : i32
    %min3A_124 = vector.broadcast %min3A_123 : i32 to vector<16xi32>
    %min3A_125 = arith.minsi %add3A_122, %min3A_124 : vector<16xi32>
    %gather3A_126 = tpu.vector_load_idx %arg6[%min3A_125] : memref<6000xi32, #tpu.memory_space<vmem>>[vector<16xi32>], vector<16xi32>,
    %swap3A_127 = arith.constant 0 : index
    %swap3A_128 = tpu.vector_load %arg8[%swap3A_127] {strides = array<i32>} : memref<32xi32, #tpu.memory_space<vmem>>, vector<16xi32>,
    tpu.vector_store %arg8[%swap3A_127], %gather3A_126 {strides = array<i32>} : memref<32xi32, #tpu.memory_space<vmem>>, vector<16xi32>,
    %mul3A_129 = arith.constant 192 : i32
    %mul3A_130 = arith.muli %select_n3A_30, %mul3A_129 : i32
    %add3A_131 = arith.constant 64 : i32
    %add3A_132 = arith.addi %mul3A_130, %add3A_131 : i32
    %add3A_133 = arith.constant 16 : i32
    %add3A_134 = arith.addi %add3A_132, %add3A_133 : i32
    %add3A_135 = vector.broadcast %add3A_134 : i32 to vector<16xi32>
    %add3A_136 = arith.addi %gather3A, %add3A_135 : vector<16xi32>
    %add3A_137 = arith.addi %add3A_136, %iota3A : vector<16xi32>
    %min3A_138 = arith.constant 5999 : i32
    %min3A_139 = vector.broadcast %min3A_138 : i32 to vector<16xi32>
    %min3A_140 = arith.minsi %add3A_137, %min3A_139 : vector<16xi32>
    %gather3A_141 = tpu.vector_load_idx %arg6[%min3A_140] : memref<6000xi32, #tpu.memory_space<vmem>>[vector<16xi32>], vector<16xi32>,
    %swap3A_142 = arith.constant 16 : index
    %swap3A_143 = tpu.vector_load %arg8[%swap3A_142] {strides = array<i32>} : memref<32xi32, #tpu.memory_space<vmem>>, vector<16xi32>,
    tpu.vector_store %arg8[%swap3A_142], %gather3A_141 {strides = array<i32>} : memref<32xi32, #tpu.memory_space<vmem>>, vector<16xi32>,
    %dma_start3A_144 = arith.constant 0 : i32
    %dma_start3A_145 = arith.constant 0 : i32
    %dma_start3A_146 = tpu.memref_slice %arg4[%dma_start3A_144, %dma_start3A_145] : memref<16384x1280xf32, #tpu.memory_space<hbm>> -> memref<16384x1280xf32, #tpu.memory_space<hbm>>
    tpu.enqueue_indirect_dma source(%dma_start3A_146 : memref<16384x1280xf32, #tpu.memory_space<hbm>>) target(%arg10 : memref<32x1280xf32, #tpu.memory_space<vmem>>) offsets(%arg8 : memref<32xi32, #tpu.memory_space<vmem>>) semaphore(%arg12 : memref<!tpu.dma_semaphore, #tpu.memory_space<semaphore_mem>>)
    %dma_wait3A_147 = arith.constant 0 : i32
    %dma_wait3A_148 = arith.constant 0 : i32
    %dma_wait3A_149 = tpu.memref_slice %arg4[%dma_wait3A_147, %dma_wait3A_148] : memref<16384x1280xf32, #tpu.memory_space<hbm>> -> memref<16384x1280xf32, #tpu.memory_space<hbm>>
    tpu.wait_indirect_dma semaphore(%arg12 : memref<!tpu.dma_semaphore, #tpu.memory_space<semaphore_mem>>) src(%dma_wait3A_149 : memref<16384x1280xf32, #tpu.memory_space<hbm>>) dst(%arg11 : memref<32x1280xf32, #tpu.memory_space<vmem>>)
    %add3A_150 = arith.constant 32 : i32
    %add3A_151 = arith.addi %add3A_38, %add3A_150 : i32
    %dma_start3A_152 = arith.constant 0 : i32
    %dma_start3A_153 = tpu.memref_slice %arg5[%add3A_151, %dma_start3A_152] : memref<6144x1280xf32, #tpu.memory_space<hbm>> -> memref<32x1280xf32, #tpu.memory_space<hbm>>
    %dma_start3A_154 = arith.constant 0 : i32
    %dma_start3A_155 = tpu.memref_slice %arg5[%add3A_151, %dma_start3A_154] : memref<6144x1280xf32, #tpu.memory_space<hbm>> -> memref<32x1280xf32, #tpu.memory_space<hbm>>
    tpu.enqueue_dma source(%arg11 : memref<32x1280xf32, #tpu.memory_space<vmem>>) target(%dma_start3A_155 : memref<32x1280xf32, #tpu.memory_space<hbm>>) target_semaphore(%arg13 : memref<!tpu.dma_semaphore, #tpu.memory_space<semaphore_mem>>)
    %dma_wait3A_156 = arith.constant 0 : i32
    %dma_wait3A_157 = tpu.memref_slice %arg5[%add3A_151, %dma_wait3A_156] : memref<6144x1280xf32, #tpu.memory_space<hbm>> -> memref<32x1280xf32, #tpu.memory_space<hbm>>
    %dma_wait3A_158 = arith.constant 0 : i32
    %dma_wait3A_159 = tpu.memref_slice %arg5[%add3A_151, %dma_wait3A_158] : memref<6144x1280xf32, #tpu.memory_space<hbm>> -> memref<32x1280xf32, #tpu.memory_space<hbm>>
    tpu.wait_dma2 semaphore(%arg13 : memref<!tpu.dma_semaphore, #tpu.memory_space<semaphore_mem>>) src(%arg11 : memref<32x1280xf32, #tpu.memory_space<vmem>>) dst(%dma_wait3A_159 : memref<32x1280xf32, #tpu.memory_space<hbm>>)
    %mul3A_160 = arith.constant 192 : i32
    %mul3A_161 = arith.muli %select_n3A_30, %mul3A_160 : i32
    %add3A_162 = arith.constant 96 : i32
    %add3A_163 = arith.addi %mul3A_161, %add3A_162 : i32
    %add3A_164 = arith.constant 0 : i32
    %add3A_165 = arith.addi %add3A_163, %add3A_164 : i32
    %add3A_166 = vector.broadcast %add3A_165 : i32 to vector<16xi32>
    %add3A_167 = arith.addi %gather3A, %add3A_166 : vector<16xi32>
    %add3A_168 = arith.addi %add3A_167, %iota3A : vector<16xi32>
    %min3A_169 = arith.constant 5999 : i32
    %min3A_170 = vector.broadcast %min3A_169 : i32 to vector<16xi32>
    %min3A_171 = arith.minsi %add3A_168, %min3A_170 : vector<16xi32>
    %gather3A_172 = tpu.vector_load_idx %arg6[%min3A_171] : memref<6000xi32, #tpu.memory_space<vmem>>[vector<16xi32>], vector<16xi32>,
    %swap3A_173 = arith.constant 0 : index
    %swap3A_174 = tpu.vector_load %arg9[%swap3A_173] {strides = array<i32>} : memref<32xi32, #tpu.memory_space<vmem>>, vector<16xi32>,
    tpu.vector_store %arg9[%swap3A_173], %gather3A_172 {strides = array<i32>} : memref<32xi32, #tpu.memory_space<vmem>>, vector<16xi32>,
    %mul3A_175 = arith.constant 192 : i32
    %mul3A_176 = arith.muli %select_n3A_30, %mul3A_175 : i32
    %add3A_177 = arith.constant 96 : i32
    %add3A_178 = arith.addi %mul3A_176, %add3A_177 : i32
    %add3A_179 = arith.constant 16 : i32
    %add3A_180 = arith.addi %add3A_178, %add3A_179 : i32
    %add3A_181 = vector.broadcast %add3A_180 : i32 to vector<16xi32>
    %add3A_182 = arith.addi %gather3A, %add3A_181 : vector<16xi32>
    %add3A_183 = arith.addi %add3A_182, %iota3A : vector<16xi32>
    %min3A_184 = arith.constant 5999 : i32
    %min3A_185 = vector.broadcast %min3A_184 : i32 to vector<16xi32>
    %min3A_186 = arith.minsi %add3A_183, %min3A_185 : vector<16xi32>
    %gather3A_187 = tpu.vector_load_idx %arg6[%min3A_186] : memref<6000xi32, #tpu.memory_space<vmem>>[vector<16xi32>], vector<16xi32>,
    %swap3A_188 = arith.constant 16 : index
    %swap3A_189 = tpu.vector_load %arg9[%swap3A_188] {strides = array<i32>} : memref<32xi32, #tpu.memory_space<vmem>>, vector<16xi32>,
    tpu.vector_store %arg9[%swap3A_188], %gather3A_187 {strides = array<i32>} : memref<32xi32, #tpu.memory_space<vmem>>, vector<16xi32>,
    %dma_start3A_190 = arith.constant 0 : i32
    %dma_start3A_191 = arith.constant 0 : i32
    %dma_start3A_192 = tpu.memref_slice %arg4[%dma_start3A_190, %dma_start3A_191] : memref<16384x1280xf32, #tpu.memory_space<hbm>> -> memref<16384x1280xf32, #tpu.memory_space<hbm>>
    tpu.enqueue_indirect_dma source(%dma_start3A_192 : memref<16384x1280xf32, #tpu.memory_space<hbm>>) target(%arg11 : memref<32x1280xf32, #tpu.memory_space<vmem>>) offsets(%arg9 : memref<32xi32, #tpu.memory_space<vmem>>) semaphore(%arg12 : memref<!tpu.dma_semaphore, #tpu.memory_space<semaphore_mem>>)
    %dma_wait3A_193 = arith.constant 0 : i32
    %dma_wait3A_194 = arith.constant 0 : i32
    %dma_wait3A_195 = tpu.memref_slice %arg4[%dma_wait3A_193, %dma_wait3A_194] : memref<16384x1280xf32, #tpu.memory_space<hbm>> -> memref<16384x1280xf32, #tpu.memory_space<hbm>>
    tpu.wait_indirect_dma semaphore(%arg12 : memref<!tpu.dma_semaphore, #tpu.memory_space<semaphore_mem>>) src(%dma_wait3A_195 : memref<16384x1280xf32, #tpu.memory_space<hbm>>) dst(%arg10 : memref<32x1280xf32, #tpu.memory_space<vmem>>)
    %add3A_196 = arith.constant 64 : i32
    %add3A_197 = arith.addi %add3A_38, %add3A_196 : i32
    %dma_start3A_198 = arith.constant 0 : i32
    %dma_start3A_199 = tpu.memref_slice %arg5[%add3A_197, %dma_start3A_198] : memref<6144x1280xf32, #tpu.memory_space<hbm>> -> memref<32x1280xf32, #tpu.memory_space<hbm>>
    %dma_start3A_200 = arith.constant 0 : i32
    %dma_start3A_201 = tpu.memref_slice %arg5[%add3A_197, %dma_start3A_200] : memref<6144x1280xf32, #tpu.memory_space<hbm>> -> memref<32x1280xf32, #tpu.memory_space<hbm>>
    tpu.enqueue_dma source(%arg10 : memref<32x1280xf32, #tpu.memory_space<vmem>>) target(%dma_start3A_201 : memref<32x1280xf32, #tpu.memory_space<hbm>>) target_semaphore(%arg13 : memref<!tpu.dma_semaphore, #tpu.memory_space<semaphore_mem>>)
    %dma_wait3A_202 = arith.constant 0 : i32
    %dma_wait3A_203 = tpu.memref_slice %arg5[%add3A_197, %dma_wait3A_202] : memref<6144x1280xf32, #tpu.memory_space<hbm>> -> memref<32x1280xf32, #tpu.memory_space<hbm>>
    %dma_wait3A_204 = arith.constant 0 : i32
    %dma_wait3A_205 = tpu.memref_slice %arg5[%add3A_197, %dma_wait3A_204] : memref<6144x1280xf32, #tpu.memory_space<hbm>> -> memref<32x1280xf32, #tpu.memory_space<hbm>>
    tpu.wait_dma2 semaphore(%arg13 : memref<!tpu.dma_semaphore, #tpu.memory_space<semaphore_mem>>) src(%arg10 : memref<32x1280xf32, #tpu.memory_space<vmem>>) dst(%dma_wait3A_205 : memref<32x1280xf32, #tpu.memory_space<hbm>>)
    %mul3A_206 = arith.constant 192 : i32
    %mul3A_207 = arith.muli %select_n3A_30, %mul3A_206 : i32
    %add3A_208 = arith.constant 128 : i32
    %add3A_209 = arith.addi %mul3A_207, %add3A_208 : i32
    %add3A_210 = arith.constant 0 : i32
    %add3A_211 = arith.addi %add3A_209, %add3A_210 : i32
    %add3A_212 = vector.broadcast %add3A_211 : i32 to vector<16xi32>
    %add3A_213 = arith.addi %gather3A, %add3A_212 : vector<16xi32>
    %add3A_214 = arith.addi %add3A_213, %iota3A : vector<16xi32>
    %min3A_215 = arith.constant 5999 : i32
    %min3A_216 = vector.broadcast %min3A_215 : i32 to vector<16xi32>
    %min3A_217 = arith.minsi %add3A_214, %min3A_216 : vector<16xi32>
    %gather3A_218 = tpu.vector_load_idx %arg6[%min3A_217] : memref<6000xi32, #tpu.memory_space<vmem>>[vector<16xi32>], vector<16xi32>,
    %swap3A_219 = arith.constant 0 : index
    %swap3A_220 = tpu.vector_load %arg8[%swap3A_219] {strides = array<i32>} : memref<32xi32, #tpu.memory_space<vmem>>, vector<16xi32>,
    tpu.vector_store %arg8[%swap3A_219], %gather3A_218 {strides = array<i32>} : memref<32xi32, #tpu.memory_space<vmem>>, vector<16xi32>,
    %mul3A_221 = arith.constant 192 : i32
    %mul3A_222 = arith.muli %select_n3A_30, %mul3A_221 : i32
    %add3A_223 = arith.constant 128 : i32
    %add3A_224 = arith.addi %mul3A_222, %add3A_223 : i32
    %add3A_225 = arith.constant 16 : i32
    %add3A_226 = arith.addi %add3A_224, %add3A_225 : i32
    %add3A_227 = vector.broadcast %add3A_226 : i32 to vector<16xi32>
    %add3A_228 = arith.addi %gather3A, %add3A_227 : vector<16xi32>
    %add3A_229 = arith.addi %add3A_228, %iota3A : vector<16xi32>
    %min3A_230 = arith.constant 5999 : i32
    %min3A_231 = vector.broadcast %min3A_230 : i32 to vector<16xi32>
    %min3A_232 = arith.minsi %add3A_229, %min3A_231 : vector<16xi32>
    %gather3A_233 = tpu.vector_load_idx %arg6[%min3A_232] : memref<6000xi32, #tpu.memory_space<vmem>>[vector<16xi32>], vector<16xi32>,
    %swap3A_234 = arith.constant 16 : index
    %swap3A_235 = tpu.vector_load %arg8[%swap3A_234] {strides = array<i32>} : memref<32xi32, #tpu.memory_space<vmem>>, vector<16xi32>,
    tpu.vector_store %arg8[%swap3A_234], %gather3A_233 {strides = array<i32>} : memref<32xi32, #tpu.memory_space<vmem>>, vector<16xi32>,
    %dma_start3A_236 = arith.constant 0 : i32
    %dma_start3A_237 = arith.constant 0 : i32
    %dma_start3A_238 = tpu.memref_slice %arg4[%dma_start3A_236, %dma_start3A_237] : memref<16384x1280xf32, #tpu.memory_space<hbm>> -> memref<16384x1280xf32, #tpu.memory_space<hbm>>
    tpu.enqueue_indirect_dma source(%dma_start3A_238 : memref<16384x1280xf32, #tpu.memory_space<hbm>>) target(%arg10 : memref<32x1280xf32, #tpu.memory_space<vmem>>) offsets(%arg8 : memref<32xi32, #tpu.memory_space<vmem>>) semaphore(%arg12 : memref<!tpu.dma_semaphore, #tpu.memory_space<semaphore_mem>>)
    %dma_wait3A_239 = arith.constant 0 : i32
    %dma_wait3A_240 = arith.constant 0 : i32
    %dma_wait3A_241 = tpu.memref_slice %arg4[%dma_wait3A_239, %dma_wait3A_240] : memref<16384x1280xf32, #tpu.memory_space<hbm>> -> memref<16384x1280xf32, #tpu.memory_space<hbm>>
    tpu.wait_indirect_dma semaphore(%arg12 : memref<!tpu.dma_semaphore, #tpu.memory_space<semaphore_mem>>) src(%dma_wait3A_241 : memref<16384x1280xf32, #tpu.memory_space<hbm>>) dst(%arg11 : memref<32x1280xf32, #tpu.memory_space<vmem>>)
    %add3A_242 = arith.constant 96 : i32
    %add3A_243 = arith.addi %add3A_38, %add3A_242 : i32
    %dma_start3A_244 = arith.constant 0 : i32
    %dma_start3A_245 = tpu.memref_slice %arg5[%add3A_243, %dma_start3A_244] : memref<6144x1280xf32, #tpu.memory_space<hbm>> -> memref<32x1280xf32, #tpu.memory_space<hbm>>
    %dma_start3A_246 = arith.constant 0 : i32
    %dma_start3A_247 = tpu.memref_slice %arg5[%add3A_243, %dma_start3A_246] : memref<6144x1280xf32, #tpu.memory_space<hbm>> -> memref<32x1280xf32, #tpu.memory_space<hbm>>
    tpu.enqueue_dma source(%arg11 : memref<32x1280xf32, #tpu.memory_space<vmem>>) target(%dma_start3A_247 : memref<32x1280xf32, #tpu.memory_space<hbm>>) target_semaphore(%arg13 : memref<!tpu.dma_semaphore, #tpu.memory_space<semaphore_mem>>)
    %dma_wait3A_248 = arith.constant 0 : i32
    %dma_wait3A_249 = tpu.memref_slice %arg5[%add3A_243, %dma_wait3A_248] : memref<6144x1280xf32, #tpu.memory_space<hbm>> -> memref<32x1280xf32, #tpu.memory_space<hbm>>
    %dma_wait3A_250 = arith.constant 0 : i32
    %dma_wait3A_251 = tpu.memref_slice %arg5[%add3A_243, %dma_wait3A_250] : memref<6144x1280xf32, #tpu.memory_space<hbm>> -> memref<32x1280xf32, #tpu.memory_space<hbm>>
    tpu.wait_dma2 semaphore(%arg13 : memref<!tpu.dma_semaphore, #tpu.memory_space<semaphore_mem>>) src(%arg11 : memref<32x1280xf32, #tpu.memory_space<vmem>>) dst(%dma_wait3A_251 : memref<32x1280xf32, #tpu.memory_space<hbm>>)
    %mul3A_252 = arith.constant 192 : i32
    %mul3A_253 = arith.muli %select_n3A_30, %mul3A_252 : i32
    %add3A_254 = arith.constant 160 : i32
    %add3A_255 = arith.addi %mul3A_253, %add3A_254 : i32
    %add3A_256 = arith.constant 0 : i32
    %add3A_257 = arith.addi %add3A_255, %add3A_256 : i32
    %add3A_258 = vector.broadcast %add3A_257 : i32 to vector<16xi32>
    %add3A_259 = arith.addi %gather3A, %add3A_258 : vector<16xi32>
    %add3A_260 = arith.addi %add3A_259, %iota3A : vector<16xi32>
    %min3A_261 = arith.constant 5999 : i32
    %min3A_262 = vector.broadcast %min3A_261 : i32 to vector<16xi32>
    %min3A_263 = arith.minsi %add3A_260, %min3A_262 : vector<16xi32>
    %gather3A_264 = tpu.vector_load_idx %arg6[%min3A_263] : memref<6000xi32, #tpu.memory_space<vmem>>[vector<16xi32>], vector<16xi32>,
    %swap3A_265 = arith.constant 0 : index
    %swap3A_266 = tpu.vector_load %arg9[%swap3A_265] {strides = array<i32>} : memref<32xi32, #tpu.memory_space<vmem>>, vector<16xi32>,
    tpu.vector_store %arg9[%swap3A_265], %gather3A_264 {strides = array<i32>} : memref<32xi32, #tpu.memory_space<vmem>>, vector<16xi32>,
    %mul3A_267 = arith.constant 192 : i32
    %mul3A_268 = arith.muli %select_n3A_30, %mul3A_267 : i32
    %add3A_269 = arith.constant 160 : i32
    %add3A_270 = arith.addi %mul3A_268, %add3A_269 : i32
    %add3A_271 = arith.constant 16 : i32
    %add3A_272 = arith.addi %add3A_270, %add3A_271 : i32
    %add3A_273 = vector.broadcast %add3A_272 : i32 to vector<16xi32>
    %add3A_274 = arith.addi %gather3A, %add3A_273 : vector<16xi32>
    %add3A_275 = arith.addi %add3A_274, %iota3A : vector<16xi32>
    %min3A_276 = arith.constant 5999 : i32
    %min3A_277 = vector.broadcast %min3A_276 : i32 to vector<16xi32>
    %min3A_278 = arith.minsi %add3A_275, %min3A_277 : vector<16xi32>
    %gather3A_279 = tpu.vector_load_idx %arg6[%min3A_278] : memref<6000xi32, #tpu.memory_space<vmem>>[vector<16xi32>], vector<16xi32>,
    %swap3A_280 = arith.constant 16 : index
    %swap3A_281 = tpu.vector_load %arg9[%swap3A_280] {strides = array<i32>} : memref<32xi32, #tpu.memory_space<vmem>>, vector<16xi32>,
    tpu.vector_store %arg9[%swap3A_280], %gather3A_279 {strides = array<i32>} : memref<32xi32, #tpu.memory_space<vmem>>, vector<16xi32>,
    %dma_start3A_282 = arith.constant 0 : i32
    %dma_start3A_283 = arith.constant 0 : i32
    %dma_start3A_284 = tpu.memref_slice %arg4[%dma_start3A_282, %dma_start3A_283] : memref<16384x1280xf32, #tpu.memory_space<hbm>> -> memref<16384x1280xf32, #tpu.memory_space<hbm>>
    tpu.enqueue_indirect_dma source(%dma_start3A_284 : memref<16384x1280xf32, #tpu.memory_space<hbm>>) target(%arg11 : memref<32x1280xf32, #tpu.memory_space<vmem>>) offsets(%arg9 : memref<32xi32, #tpu.memory_space<vmem>>) semaphore(%arg12 : memref<!tpu.dma_semaphore, #tpu.memory_space<semaphore_mem>>)
    %dma_wait3A_285 = arith.constant 0 : i32
    %dma_wait3A_286 = arith.constant 0 : i32
    %dma_wait3A_287 = tpu.memref_slice %arg4[%dma_wait3A_285, %dma_wait3A_286] : memref<16384x1280xf32, #tpu.memory_space<hbm>> -> memref<16384x1280xf32, #tpu.memory_space<hbm>>
    tpu.wait_indirect_dma semaphore(%arg12 : memref<!tpu.dma_semaphore, #tpu.memory_space<semaphore_mem>>) src(%dma_wait3A_287 : memref<16384x1280xf32, #tpu.memory_space<hbm>>) dst(%arg10 : memref<32x1280xf32, #tpu.memory_space<vmem>>)
    %add3A_288 = arith.constant 128 : i32
    %add3A_289 = arith.addi %add3A_38, %add3A_288 : i32
    %dma_start3A_290 = arith.constant 0 : i32
    %dma_start3A_291 = tpu.memref_slice %arg5[%add3A_289, %dma_start3A_290] : memref<6144x1280xf32, #tpu.memory_space<hbm>> -> memref<32x1280xf32, #tpu.memory_space<hbm>>
    %dma_start3A_292 = arith.constant 0 : i32
    %dma_start3A_293 = tpu.memref_slice %arg5[%add3A_289, %dma_start3A_292] : memref<6144x1280xf32, #tpu.memory_space<hbm>> -> memref<32x1280xf32, #tpu.memory_space<hbm>>
    tpu.enqueue_dma source(%arg10 : memref<32x1280xf32, #tpu.memory_space<vmem>>) target(%dma_start3A_293 : memref<32x1280xf32, #tpu.memory_space<hbm>>) target_semaphore(%arg13 : memref<!tpu.dma_semaphore, #tpu.memory_space<semaphore_mem>>)
    %dma_wait3A_294 = arith.constant 0 : i32
    %dma_wait3A_295 = tpu.memref_slice %arg5[%add3A_289, %dma_wait3A_294] : memref<6144x1280xf32, #tpu.memory_space<hbm>> -> memref<32x1280xf32, #tpu.memory_space<hbm>>
    %dma_wait3A_296 = arith.constant 0 : i32
    %dma_wait3A_297 = tpu.memref_slice %arg5[%add3A_289, %dma_wait3A_296] : memref<6144x1280xf32, #tpu.memory_space<hbm>> -> memref<32x1280xf32, #tpu.memory_space<hbm>>
    tpu.wait_dma2 semaphore(%arg13 : memref<!tpu.dma_semaphore, #tpu.memory_space<semaphore_mem>>) src(%arg10 : memref<32x1280xf32, #tpu.memory_space<vmem>>) dst(%dma_wait3A_297 : memref<32x1280xf32, #tpu.memory_space<hbm>>)
    %dma_wait3A_298 = arith.constant 0 : i32
    %dma_wait3A_299 = arith.constant 0 : i32
    %dma_wait3A_300 = tpu.memref_slice %arg4[%dma_wait3A_298, %dma_wait3A_299] : memref<16384x1280xf32, #tpu.memory_space<hbm>> -> memref<16384x1280xf32, #tpu.memory_space<hbm>>
    tpu.wait_indirect_dma semaphore(%arg12 : memref<!tpu.dma_semaphore, #tpu.memory_space<semaphore_mem>>) src(%dma_wait3A_300 : memref<16384x1280xf32, #tpu.memory_space<hbm>>) dst(%arg11 : memref<32x1280xf32, #tpu.memory_space<vmem>>)
    %add3A_301 = arith.constant 160 : i32
    %add3A_302 = arith.addi %add3A_38, %add3A_301 : i32
    %dma_start3A_303 = arith.constant 0 : i32
    %dma_start3A_304 = tpu.memref_slice %arg5[%add3A_302, %dma_start3A_303] : memref<6144x1280xf32, #tpu.memory_space<hbm>> -> memref<32x1280xf32, #tpu.memory_space<hbm>>
    %dma_start3A_305 = arith.constant 0 : i32
    %dma_start3A_306 = tpu.memref_slice %arg5[%add3A_302, %dma_start3A_305] : memref<6144x1280xf32, #tpu.memory_space<hbm>> -> memref<32x1280xf32, #tpu.memory_space<hbm>>
    tpu.enqueue_dma source(%arg11 : memref<32x1280xf32, #tpu.memory_space<vmem>>) target(%dma_start3A_306 : memref<32x1280xf32, #tpu.memory_space<hbm>>) target_semaphore(%arg13 : memref<!tpu.dma_semaphore, #tpu.memory_space<semaphore_mem>>)
    %dma_wait3A_307 = arith.constant 0 : i32
    %dma_wait3A_308 = tpu.memref_slice %arg5[%add3A_302, %dma_wait3A_307] : memref<6144x1280xf32, #tpu.memory_space<hbm>> -> memref<32x1280xf32, #tpu.memory_space<hbm>>
    %dma_wait3A_309 = arith.constant 0 : i32
    %dma_wait3A_310 = tpu.memref_slice %arg5[%add3A_302, %dma_wait3A_309] : memref<6144x1280xf32, #tpu.memory_space<hbm>> -> memref<32x1280xf32, #tpu.memory_space<hbm>>
    tpu.wait_dma2 semaphore(%arg13 : memref<!tpu.dma_semaphore, #tpu.memory_space<semaphore_mem>>) src(%arg11 : memref<32x1280xf32, #tpu.memory_space<vmem>>) dst(%dma_wait3A_310 : memref<32x1280xf32, #tpu.memory_space<hbm>>)
    return
  }
}

module attributes {stable_mosaic.version = 14 : i64} {
  func.func @_tc_body(%arg0: i32, %arg1: i32, %arg2: memref<17xi32, #tpu.memory_space<smem>>, %arg3: memref<384x256xf32, #tpu.memory_space<vmem>>, %arg4: memref<1x256x375xf32, #tpu.memory_space<vmem>>, %arg5: memref<16xi32, #tpu.memory_space<smem>>) attributes {dimension_semantics = [#tpu.dimension_semantics<arbitrary>, #tpu.dimension_semantics<arbitrary>], iteration_bounds = array<i64: 16, 5>, scalar_prefetch = 0 : i64, scratch_operands = 0 : i64, tpu.core_type = #tpu.core_type<tc>, window_params = [{transform_indices = @transform_0, window_bounds = array<i64: 17>}, {transform_indices = @transform_1, window_bounds = array<i64: 384, 256>}, {transform_indices = @transform_2, window_bounds = array<i64: 1, 256, 375>}, {transform_indices = @transform_3, window_bounds = array<i64: 16>}]} {
    %add3A = arith.constant 1 : i32
    %add3A_0 = arith.addi %arg0, %add3A : i32
    %get3A = arith.index_cast %add3A_0 : i32 to index
    %get3A_1 = memref.load %arg2[%get3A] : memref<17xi32, #tpu.memory_space<smem>>
    %get3A_2 = arith.index_cast %arg0 : i32 to index
    %get3A_3 = memref.load %arg2[%get3A_2] : memref<17xi32, #tpu.memory_space<smem>>
    %sub3A = arith.subi %get3A_1, %get3A_3 : i32
    %swap3A = arith.index_cast %arg0 : i32 to index
    %swap3A_4 = memref.load %arg5[%swap3A] : memref<16xi32, #tpu.memory_space<smem>>
    memref.store %sub3A, %arg5[%swap3A] : memref<16xi32, #tpu.memory_space<smem>>
    %min3A = arith.constant 375 : i32
    %min3A_5 = arith.minsi %sub3A, %min3A : i32
    %get3A_6 = arith.constant 0 : index
    %get3A_7 = arith.constant 0 : index
    %get3A_8 = vector.load %arg3[%get3A_6, %get3A_7] : memref<384x256xf32, #tpu.memory_space<vmem>>, vector<384x256xf32>
    %transpose3A = tpu.transpose %get3A_8, [1, 0] : vector<384x256xf32> -> vector<256x384xf32>
    %iota3A = tpu.iota {dimensions = array<i32: 1>} : vector<256x375xi32>
    %lt3A = vector.broadcast %min3A_5 : i32 to vector<256x375xi32>
    %lt3A_9 = arith.cmpi slt, %iota3A, %lt3A : vector<256x375xi32>
    %slice3A = vector.extract_strided_slice %transpose3A {offsets = [0, 0], sizes = [256, 375], strides = [1, 1]} : vector<256x384xf32> to vector<256x375xf32>
    %jit3A = arith.constant 0.000000e+00 : f32
    %broadcast_in_dim3A = vector.broadcast %jit3A : f32 to vector<256x375xf32>
    %select_n3A = arith.select %lt3A_9, %slice3A, %broadcast_in_dim3A : vector<256x375xi1>, vector<256x375xf32>
    %swap3A_10 = arith.constant 0 : index
    %swap3A_11 = arith.constant 0 : index
    %swap3A_12 = arith.constant 0 : index
    %swap3A_13 = vector.load %arg4[%swap3A_10, %swap3A_11, %swap3A_12] : memref<1x256x375xf32, #tpu.memory_space<vmem>>, vector<1x256x375xf32>
    %swap3A_14 = vector.shape_cast %swap3A_13 : vector<1x256x375xf32> to vector<256x375xf32>
    %swap3A_15 = vector.shape_cast %select_n3A : vector<256x375xf32> to vector<1x256x375xf32>
    tpu.vector_store %arg4[%swap3A_10, %swap3A_11, %swap3A_12], %swap3A_15 {strides = array<i32>} : memref<1x256x375xf32, #tpu.memory_space<vmem>>, vector<1x256x375xf32>,
    return
  }
  func.func @transform_0(%arg0: i32, %arg1: i32) -> i32 {
    %c0_i32 = arith.constant 0 : i32
    %c0_i32_0 = arith.constant 0 : i32
    return %c0_i32 : i32
  }
  func.func @transform_1(%arg0: i32, %arg1: i32) -> (i32, i32) {
    %c0_i32 = arith.constant 0 : i32
    return %arg0, %arg1 : i32, i32
  }
  func.func @transform_2(%arg0: i32, %arg1: i32) -> (i32, i32, i32) {
    %c0_i32 = arith.constant 0 : i32
    %c0_i32_0 = arith.constant 0 : i32
    return %arg0, %arg1, %c0_i32 : i32, i32, i32
  }
  func.func @transform_3(%arg0: i32, %arg1: i32) -> i32 {
    %c0_i32 = arith.constant 0 : i32
    %c0_i32_0 = arith.constant 0 : i32
    return %c0_i32 : i32
  }
}

</mosaic_0001>

<sc_bundles>
// kernel: kernel.4.cloned.1.call-start
scs
__scs_entry_jumppad:
0x0: {  	(pc) =	sbr.rel $0x88, $3  }
0x1: {  	(tag) =	ssettag $0x0;
	lr =	simm.s32 $0x1  }
0x2: {  	[smem:$0x3F9E] =	sst lr;
	_ =	strace $0xD0000000  }
0x3: {  	_ = 	snop  }
0x4: {  	_ = 	snop  }
0x5: {  	_ = 	snop  }
0x6: {  	_ = 	snop  }
0x7: {  	_ = 	snop  }
__scs_overlays_trampoline_lowered:
0x8: {  	[smem:$0x3FAD] =	sst s0  }
0x9: {  	[smem:$0x3FAE] =	sst s1  }
0xa: {  	[smem:$0x3FAF] =	sst s2  }
0xb: {  	[smem:$0x3FB0] =	sst s3  }
0xc: {  	[smem:$0x3FB1] =	sst s4  }
0xd: {  	[smem:$0x3FB2] =	sst s5  }
0xe: {  	[smem:$0x3FB3] =	sst s6  }
0xf: {  	[smem:$0x3FB4] =	sst s7  }
0x10: {  	[smem:$0x3FB5] =	sst s8  }
0x11: {  	[smem:$0x3FB6] =	sst s9;
	s0 =	simm.s32 @!p0 $0x0  }
0x12: {  	s1 =	sld [smem:$0x3F9C];
	s0 =	simm.s32 @p0 $0x1  }
0x13: {  	[smem:$0x3FB7] =	sst s0;
	s0 =	simm.s32 @!p1 $0x0  }
0x14: {  	s2 =	sld [smem:$0x3F9B];
	s0 =	simm.s32 @p1 $0x1  }
0x15: {  	[smem:$0x3FB8] =	sst s0;
	s0 =	simm.s32 @!p2 $0x0  }
0x16: {  	s3 =	sld [smem:$0x3FDB];
	s0 =	simm.s32 @p2 $0x1  }
0x17: {  	s4 =	simm.s32 $0x1BF5;
	[smem:$0x3FBA] =	sst s0  }
0x18: {  	s0 =	sld [smem:$0x3F9D];
	_ =	swait.ge [sflag:s4], $0x0  }
0x19: {  	s7 =	sld [smem:$0x3F9E]  }
0x1a: {  	s8 =	sadd.s32 $0xFFFFE003, lr  }
0x1b: {  	s9 =	sadd.s32 $0xFFFFFEF7, lr;
	s5 =	simm.s32 $0xFFFFFFFF;
	p2 =	slt.u32 s8, $0xFFFFF086  }
0x1c: {  	p1 =	slt.u32 s9, $0xF7A;
	s5 =	simm.s32 @!p2 $0x0  }
0x1d: {  	s5 =	simm.s32 @p1 $0x1;
	p0 =	seq.s32 s7, s2  }
0x1e: {  	s7 =	smul.u32 @!p0 $0xF7A, s2;
	p2 =	seq.s32 @!p0 s5, $0x0  }
0x1f: {  	s9 =	smul.u32 $0xF7A, s1;
	s8 =	simm.s32 @!p0 $0x1BF5;
	p2 =	por !p2, p0  }
0x20: {  	[sflag:s8] =	ssyncset.s32 @!p0 $0xFFFFF086;
	s6 =	sadd.s32 @!p0 s3, s7;
	s7 =	simm.s32 @!p0 $0x108  }
0x21: {  	s3 =	sadd.s32 s3, s9;
	s6 =	sadd.s32 @!p0 $0x88, s6;
	s7 =	simm.s32 @p2 $0x1082  }
0x22: {  	[simem:s7], [sflag:s8] =	dma.local @!p0 [hbm:s6], $0xF7A  }
0x23: {  	s9 =	sor.u32 $0xD0000000, s2;
	s6 =	simm.s32 $0x108;
	_ =	swait.ge @!p0 [sflag:s8], $0x0  }
0x24: {  	s3 =	sadd.s32 $0x88, s3;
	s6 =	simm.s32 @!p1 $0x1082;
	[sflag:s4] =	ssyncset.s32 $0xFFFFF086  }
0x25: {  	[simem:s6], [sflag:s4] =	dma.local [hbm:s3], $0xF7A  }
0x26: {  	[smem:$0x3F9E] =	sst s1;
	(tag) =	ssettag s2;
	_ =	strace s9  }
0x27: {  	s1 =	sld [smem:$0x3FAE]  }
0x28: {  	s2 =	sld [smem:$0x3FAF]  }
0x29: {  	s4 =	sld [smem:$0x3FB1]  }
0x2a: {  	p0 =	seq.s32 s5, $0x0;
	s5 =	sld [smem:$0x3FB2]  }
0x2b: {  	s6 =	sld [smem:$0x3FB3]  }
0x2c: {  	s7 =	sld [smem:$0x3FB4]  }
0x2d: {  	s3 =	simm.s32 $0x108;
	s8 =	sld [smem:$0x3FB5]  }
0x2e: {  	s3 =	simm.s32 @!p0 $0x1082;
	s9 =	sld [smem:$0x3FB6]  }
0x2f: {  	lr =	sadd.s32 s0, s3;
	s0 =	sld [smem:$0x3FAD]  }
0x30: {  	s3 =	sld [smem:$0x3FB0]  }
0x31: {  	[smem:$0x3FB9] =	sst s10  }
0x32: {  	s10 =	sld [smem:$0x3FB7];
	_ =	sdelay $0x3  }
0x33: {  	p0 =	seq.s32 s10, $0x1;
	s10 =	sld [smem:$0x3FB9];
	_ =	sdelay $0x3  }
0x34: {  	[smem:$0x3FB9] =	sst s10  }
0x35: {  	s10 =	sld [smem:$0x3FB8];
	_ =	sdelay $0x3  }
0x36: {  	p1 =	seq.s32 s10, $0x1;
	s10 =	sld [smem:$0x3FB9];
	_ =	sdelay $0x3  }
0x37: {  	[smem:$0x3FB9] =	sst s10  }
0x38: {  	s10 =	sld [smem:$0x3FBA]  }
0x39: {  	_ = 	snop;
	(pc) =	sbr.ind lr, $3  }
0x3a: {  	_ = 	snop  }
0x3b: {  	_ = 	snop  }
0x3c: {  	p2 =	seq.s32 s10, $0x1;
	s10 =	sld [smem:$0x3FB9]  }
0x3d: {  	_ =	shalt  }
0x3e: {  	_ =	shalt  }
0x3f: {  	_ =	shalt  }
0x40: {  	_ =	shalt  }
0x41: {  	_ =	shalt  }
0x42: {  	_ =	shalt  }
0x43: {  	_ =	shalt  }
0x44: {  	_ =	shalt  }
0x45: {  	_ =	shalt  }
0x46: {  	_ =	shalt  }
0x47: {  	_ =	shalt  }
0x48: {  	_ =	shalt  }
0x49: {  	_ =	shalt  }
0x4a: {  	_ =	shalt  }
0x4b: {  	_ =	shalt  }
0x4c: {  	_ =	shalt  }
0x4d: {  	_ =	shalt  }
0x4e: {  	_ =	shalt  }
0x4f: {  	_ =	shalt  }
0x50: {  	_ =	shalt  }
0x51: {  	_ =	shalt  }
0x52: {  	_ =	shalt  }
0x53: {  	_ =	shalt  }
0x54: {  	_ =	shalt  }
0x55: {  	_ =	shalt  }
0x56: {  	_ =	shalt  }
0x57: {  	_ =	shalt  }
0x58: {  	_ =	shalt  }
0x59: {  	_ =	shalt  }
0x5a: {  	_ =	shalt  }
0x5b: {  	_ =	shalt  }
0x5c: {  	_ =	shalt  }
0x5d: {  	_ =	shalt  }
0x5e: {  	_ =	shalt  }
0x5f: {  	_ =	shalt  }
0x60: {  	_ =	shalt  }
0x61: {  	_ =	shalt  }
0x62: {  	_ =	shalt  }
0x63: {  	_ =	shalt  }
0x64: {  	_ =	shalt  }
0x65: {  	_ =	shalt  }
0x66: {  	_ =	shalt  }
0x67: {  	_ =	shalt  }
0x68: {  	_ =	shalt  }
0x69: {  	_ =	shalt  }
0x6a: {  	_ =	shalt  }
0x6b: {  	_ =	shalt  }
0x6c: {  	_ =	shalt  }
0x6d: {  	_ =	shalt  }
0x6e: {  	_ =	shalt  }
0x6f: {  	_ =	shalt  }
0x70: {  	_ =	shalt  }
0x71: {  	_ =	shalt  }
0x72: {  	_ =	shalt  }
0x73: {  	_ =	shalt  }
0x74: {  	_ =	shalt  }
0x75: {  	_ =	shalt  }
0x76: {  	_ =	shalt  }
0x77: {  	_ =	shalt  }
0x78: {  	_ =	shalt  }
0x79: {  	_ =	shalt  }
0x7a: {  	_ =	shalt  }
0x7b: {  	_ =	shalt  }
0x7c: {  	_ =	shalt  }
0x7d: {  	_ =	shalt  }
0x7e: {  	_ =	shalt  }
0x7f: {  	_ =	shalt  }
0x80: {  	_ =	shalt  }
0x81: {  	_ =	shalt  }
0x82: {  	_ =	shalt  }
0x83: {  	_ =	shalt  }
0x84: {  	_ =	shalt  }
0x85: {  	_ =	shalt  }
0x86: {  	_ =	shalt  }
0x87: {  	_ =	shalt  }
.Lfunc_end0:
.L_simem_size_0:
called_computation_lowered:
.L_overlay_start_0:
0x88: {  	s2 =	sld [smem:$0x3FD9]  }
0x89: {  	s3 =	sld [smem:$0x3FFE];
	_ =	sdelay $0x1  }
0x8a: {  	s1 =	srdreg.scid  }
0x8b: {  	s0 =	sand.u32 $0x1, s1  }
0x8c: {  	s17 =	sshll.u32 s0, $0xA;
	s2 =	sadd.s32 s3, s2  }
0x8d: {  	s2 =	sadd.s32 s2, s17  }
0x8e: {  	[smem:$0x3FC5] =	sst s2  }
0x8f: {  	_ = 	snop  }
0x90: {  	s2 =	sld [smem:$0x3FC9]  }
0x91: {  	s18 =	sld [smem:$0x3FC8]  }
0x92: {  	s4 =	sld [smem:$0x3FC7];
	(tm) =	ssettm $0x1  }
0x93: {  	s5 =	sld [smem:$0x3FFB];
	_ =	sdelay $0x3  }
0x94: {  	_ =	strace s5  }
0x95: {  	s5 =	sld [smem:$0x3FFC];
	_ =	sdelay $0x3  }
0x96: {  	_ =	strace s5  }
0x97: {  	s5 =	sld [smem:$0x3FFD];
	_ =	sdelay $0x3  }
0x98: {  	_ =	strace s5  }
0x99: {  	_ =	strace $0x8FFFFFFF  }
0x9a: {  	s19 =	sld [smem:$0x3FDB];
	_ =	sdelay $0x1  }
0x9b: {  	s6 =	simm.s32 $_scs_section_size  }
0x9c: {  	s7 =	simm.s32 $_size__tile_overlayer_lowered;
	s8 =	simm.s32 $_tile_overlayer_lowered  }
0x9d: {  	s22 =	simm.s32 $0x1BFF;
	s21 =	sshll.u32 s8, $0x1;
	s5 =	sadd.s32 s6, s19  }
0x9e: {  	s9 =	simm.s32 $0x0;
	s20 =	sshll.u32 s7, $0x1;
	s7 =	sadd.s32 s21, s5  }
0x9f: {  	[timem:s9], [sflag:s22] =	dma.local [hbm:s7], s20  }
0xa0: {  	_ =	swait.ge [sflag:s22], s20  }
0xa1: {  	s6 =	ssub.s32 $0x0, s20;
	[sflag:s22] =	ssyncset.done $0x0  }
0xa2: {  	[sflag:s22] =	ssyncadd.s32 s6;
	_ =	sdelay $0x1  }
0xa3: {  	s23 =	simm.s32 $0x1B8B  }
0xa4: {  	_ =	swait.ge [sflag:s23], $0x1  }
0xa5: {  	[sflag:s23] =	ssyncset.done $0x0  }
0xa6: {  	s25 =	simm.s32 $0x1B8E;
	s24 =	sld [smem:$0x3FFE];
	[sflag:s23] =	ssyncadd.s32 $0xFFFFFFFF  }
0xa7: {  	s26 =	simm.s32 $execute0_lowered;
	[smem:$0x3FD2] =	sst s25  }
0xa8: {  	s7 =	sshll.u32 s26, $0x1;
	_ =	strace $0x80000046;
	[dreg:$0x1] =	wrdreg $0xFFFFFFFF  }
0xa9: {  	s28 =	simm.s32 $_size_execute0_lowered;
	s5 =	sadd.s32 s5, s7;
	[dreg:$0x0] =	wrdreg $0x0  }
0xaa: {  	s7 =	sshll.u32 s28, $0x1;
	[dreg:$0x2] =	wrdreg s5  }
0xab: {  	[dreg:$0x3] =	wrdreg s7  }
0xac: {  	[dreg:$0x4] =	wrdreg $0xC0  }
0xad: {  	_ =	task [dreg:s9], $0x5FFFF  }
0xae: {  	[dreg:$0x1] =	wrdreg $0xFFFFFFFF  }
0xaf: {  	[dreg:$0x0] =	wrdreg $0x60  }
0xb0: {  	[dreg:$0x2] =	wrdreg s2  }
0xb1: {  	[dreg:$0x3] =	wrdreg s18  }
0xb2: {  	[dreg:$0x4] =	wrdreg s4  }
0xb3: {  	[dreg:$0x5] =	wrdreg s24  }
0xb4: {  	[dreg:$0x6] =	wrdreg $0x9  }
0xb5: {  	_ =	task.clear_ibuf [dreg:s9], $0x7FFFF;
	_ =	strace $0x90000046  }
0xb6: {  	s29 =	simm.s32 $0x9;
	_ =	strace $0x80000048  }
0xb7: {  	_ =	swait.ge [sflag:s29], $0x1  }
0xb8: {  	[sflag:s29] =	ssyncadd.s32 $0xFFFFFFFF  }
0xb9: {  	_ =	strace $0x90000048  }
0xba: {  	_ =	sfence  }
0xbb: {  	s30 =	sld [smem:$0x0];
	_ =	sdelay $0x2  }
0xbc: {  	s31 =	sshll.u32 s1, $0xD;
	s1 =	sshrl.u32 s1, $0x2  }
0xbd: {  	s3 =	sand.u32 $0x4000, s31;
	s1 =	sadd.s32 s1, s30  }
0xbe: {  	s0 =	sor.u32 s3, s0;
	s1 =	sshll.u32 s1, $0x11  }
0xbf: {  	s0 =	sor.u32 s1, s0  }
0xc0: {  	s0 =	sadd.s32 $0x8F2B, s0  }
0xc1: {  	[sflag:s0] =	ssyncadd.remote.s32 $0x1  }
0xc2: {  	_ =	sfence.sel $0xFFFF  }
0xc3: {  	[dreg:$0x0] =	wrdreg $0xFFFFFFFF;
	(pc) =	sbr.abs _section_cstart, $3  }
0xc4: {  	[dreg:$0x1] =	wrdreg $0xFFFFFFFF  }
0xc5: {  	_ =	task.clear_ibuf [dreg:s9], $0x2FFFF;
	_ =	strace $0x9FFFFFFF  }
0xc6: {  	(tm) =	ssettm $0x7FFFFFFF  }
0xc7: {  	_ =	shalt  }
tec
execute0_lowered:
.L_overlay_start_1:
0x0: {  	(tag) =	ssettag $0x1  }
0x1: {  	s0 =	srdreg.scid;
	s1 =	rddreg [dreg:$0x0]  }
0x2: {  	s5 =	stileid.u32;
	s2 =	rddreg [dreg:$0x1]  }
0x3: {  	s4 =	rddreg [dreg:$0x3];
	s3 =	simm.s32 $0x0;
	s14 =	simm.s32 $0xC0  }
0x4: {  	s28 =	simm.s32 $0x9100;
	s29 =	simm.s32 $0x9900;
	[dreg:$0x5] =	wrdreg s1  }
0x5: {  	s30 =	simm.s32 $0xA100;
	s31 =	simm.s32 $0xA900;
	[dreg:$0x6] =	wrdreg s2  }
0x6: {  	s0 =	sand.u32 $0x1, s0;
	s2 =	rddreg [dreg:$0x2];
	s1 =	simm.s32 $0x1  }
0x7: {  	[smem:$0x7FF] =	sst s3;
	s9 =	sadd.s32 $0x800, s4;
	s4 =	simm.s32 $0x1  }
0x8: {  	s21 =	sor.u32 s0, s5;
	p0 =	seq.s32 s0, $0x1;
	_ =	strace $0x80000047  }
0x9: {  	s0 =	ssub.s32 $0x2, s0;
	s6 =	sadd.s32 $0x200, s2;
	p1 =	seq.s32 s21, $0x0  }
0xa: {  	s7 =	sadd.s32 $0x300, s2;
	s22 =	sshrl.u32 s0, $0x1;
	p1 =	por !p1, !p0  }
0xb: {  	s14 =	simm.s32 @!p0 $0x0;
	s0 =	ssub.s32 s0, s22;
	p1 =	por !p1, !p1  }
0xc: {  	s15 =	sor.u32 $0x10, s14;
	s17 =	sor.u32 $0x20, s14;
	s1 =	simm.s32 @!p1 $0x0  }
0xd: {  	s18 =	sor.u32 $0x30, s14;
	s19 =	sadd.s32 $0x40, s14;
	s1 =	ssub.s32 s5, s1  }
0xe: {  	v15 =	vlaneseq.u32;
	s20 =	sadd.s32 $0x50, s14;
	s21 =	sadd.s32 $0x60, s14;
	s5 =	smul.u32 $0x180, s1  }
0xf: {  	s22 =	sadd.s32 $0x70, s14;
	v2 =	vor.u32 s15, v15;
	v3 =	vor.u32 s17, v15;
	s15 =	simm.s32 $0x3100;
	s17 =	simm.s32 $0x4100  }
0x10: {  	v4 =	vor.u32 s18, v15;
	v5 =	vor.u32 s19, v15;
	s18 =	simm.s32 $0x4900;
	s19 =	simm.s32 $0x5100;
	s10 =	sadd.s32 s14, s5  }
0x11: {  	v6 =	vor.u32 s20, v15;
	v7 =	vor.u32 s21, v15;
	s20 =	simm.s32 $0x5900;
	s21 =	simm.s32 $0x6100;
	s8 =	sshrl.u32 s10, $0x3  }
0x12: {  	v8 =	vor.u32 s22, v15;
	s22 =	simm.s32 $0x6900;
	v0 =	vmov s1;
	s1 =	simm.s32 $0x2;
	s11 =	smul.u32 $0x500, s8  }
0x13: {  	s13 =	sadd.s32 $0x40, s10;
	s26 =	sadd.s32 $0x60, s10;
	s12 =	smul.u32 $0x2800, s8  }
0x14: {  	s24 =	sshrl.u32 s13, $0x3;
	s13 =	sadd.s32 $0x80, s10;
	s10 =	sadd.s32 $0xA0, s10  }
0x15: {  	s5 =	sadd.s32 $0x100, s2;
	s8 =	sadd.s32 $0x400, s2;
	s10 =	sshrl.u32 s10, $0x3  }
0x16: {  	s11 =	sadd.s32 s9, s11;
	s12 =	sadd.s32 $0xA000, s12;
	s10 =	smul.u32 $0x500, s10  }
0x17: {  	[dreg:$0x7] =	wrdreg s11;
	s23 =	sshrl.u32 s12, $0x3;
	s12 =	smul.u32 $0x500, s24  }
0x18: {  	s24 =	sadd.s32 $0x90, s14;
	s11 =	sadd.s32 s9, s23;
	s23 =	sadd.s32 $0x80, s14  }
0x19: {  	v10 =	vor.u32 s24, v15;
	s24 =	simm.s32 $0x7900;
	s25 =	sadd.s32 s9, s12;
	s12 =	sshrl.u32 s26, $0x3  }
0x1a: {  	[dreg:$0x8] =	wrdreg s11;
	s11 =	smul.u32 $0x500, s12;
	s12 =	sshrl.u32 s13, $0x3  }
0x1b: {  	s26 =	sadd.s32 $0xB0, s14;
	v9 =	vor.u32 s23, v15;
	s23 =	simm.s32 $0x7100;
	s12 =	smul.u32 $0x500, s12  }
0x1c: {  	[dreg:$0x9] =	wrdreg s25;
	s25 =	sadd.s32 $0xA0, s14;
	s11 =	sadd.s32 s9, s11  }
0x1d: {  	v1 =	vor.u32 s14, v15;
	s14 =	simm.s32 $0x2900;
	[dreg:$0xa] =	wrdreg s11;
	s16 =	sadd.s32 s9, s12  }
0x1e: {  	v12 =	vor.u32 s26, v15;
	s26 =	simm.s32 $0x8900;
	s9 =	sadd.s32 s9, s10;
	[dreg:$0xb] =	wrdreg s16  }
0x1f: {  	vm0 =	vmmov $0xffff;
	v14 =	vshrl.u32 v15, $0x3;
	v11 =	vor.u32 s25, v15;
	s25 =	simm.s32 $0x8100;
	s12 =	simm.s32 $0xB100;
	[dreg:$0xc] =	wrdreg s9  }
0x20: {  	v13 =	vand.u32 $0x7, v15;
	v14 =	vmul.u32 $0x8, v14;
	v15 =	vor.u32 $0x8, v15;
	s9 =	smax.u32 s0, $0x1;
	s16 =	simm.s32 $0x3900;
	s0 =	simm.s32 $0xB900  }
.LBB2_1:
0x21: {  	s11 =	rddreg [dreg:$0x5];
	s10 =	simm.s32 $0x3  }
0x22: {  	[tilespmem:s3], [sflag:$0x3] =	stream.linear.gather [hbm4b:s11+s3], $0x1780, $0x38;
	[tilespmem:$0x15900] =	vst v63  }
0x23: {  	_ =	swait.ge [sflag:s10], $0x1780  }
0x24: {  	[sflag:s10] =	ssyncset.done $0x0  }
0x25: {  	s13 =	simm.s32 $0x1780;
	s11 =	rddreg [dreg:$0x6];
	[sflag:s10] =	ssyncadd.s32 $0xFFFFE880  }
0x26: {  	[tilespmem:s13], [sflag:$0x3] =	stream.linear.gather [hbm4b:s11+s3], $0x11, $0x38;
	[tilespmem:$0x15900] =	vst v63  }
0x27: {  	_ =	swait.ge [sflag:s10], $0x11  }
0x28: {  	[sflag:s10] =	ssyncset.done $0x0  }
0x29: {  	[sflag:s10] =	ssyncadd.s32 $0xFFFFFFEF  }
0x2a: {  	v16 =	vld.idx.msk [tilespmem:v0+s13+$0x0], $0xffff;
	_ =	sdelay $0x4  }
0x2b: {  	v17 =	vadd.s32 v1, v16  }
0x2c: {  	vm1 =	vlt.s32 v17, $0x176F  }
0x2d: {  	v17 =	vnsel vm1, $0x176F, v17;
	_ =	sdelay $0x4  }
0x2e: {  	v17 =	vld.idx.msk [tilespmem:v17+s3+$0x0], $0xffff;
	_ =	sdelay $0x2  }
0x2f: {  	v18 =	vadd.s32 v2, v16  }
0x30: {  	vm1 =	vlt.s32 v18, $0x176F  }
0x31: {  	v18 =	vnsel vm1, $0x176F, v18;
	v19 =	vshrl.u32 v17, $0x3  }
0x32: {  	v19 =	vmul.u32 $0x50, v19  }
0x33: {  	v20 =	vand.u32 $0x7, v17  }
0x34: {  	v19 =	vor.u32 v20, v19  }
0x35: {  	[tilespmem:$0x1800] =	vst v17;
	v17 =	vperm.xlane v19, v13  }
0x36: {  	v18 =	vld.idx.msk [tilespmem:v18+s3+$0x0], $0xffff  }
0x37: {  	v17 =	vadd.s32 v14, v17;
	_ =	sdelay $0x3  }
0x38: {  	s10 =	simm.s32 $0x1900;
	[tilespmem:$0x1810] =	vst v18  }
0x39: {  	[tilespmem:s10], [sflag:$0x1] =	stream.indirect_vreg.gather [hbm4b:s2+s3], $0x80, v17, vm0, $0xb8;
	[tilespmem:$0x15900] =	vst v63  }
0x3a: {  	s13 =	simm.s32 $0x2100  }
0x3b: {  	[tilespmem:s13], [sflag:$0x1] =	stream.indirect_vreg.gather [hbm4b:s5+s3], $0x80, v17, vm0, $0xb8;
	[tilespmem:$0x15900] =	vst v63  }
0x3c: {  	v39 =	vperm.xlane v19, v15  }
0x3d: {  	[tilespmem:s14], [sflag:$0x1] =	stream.indirect_vreg.gather [hbm4b:s6+s3], $0x80, v17, vm0, $0xb8;
	[tilespmem:$0x15900] =	vst v63  }
0x3e: {  	v18 =	vadd.s32 v14, v39  }
0x3f: {  	[tilespmem:s15], [sflag:$0x1] =	stream.indirect_vreg.gather [hbm4b:s7+s3], $0x80, v17, vm0, $0xb8;
	[tilespmem:$0x15900] =	vst v63  }
0x40: {  	_ = 	snop  }
0x41: {  	[tilespmem:s16], [sflag:$0x1] =	stream.indirect_vreg.gather [hbm4b:s8+s3], $0x80, v17, vm0, $0xb8;
	[tilespmem:$0x15900] =	vst v63  }
0x42: {  	_ = 	snop  }
0x43: {  	[tilespmem:s17], [sflag:$0x1] =	stream.indirect_vreg.gather [hbm4b:s2+s3], $0x80, v18, vm0, $0xb8;
	[tilespmem:$0x15900] =	vst v63  }
0x44: {  	_ = 	snop  }
0x45: {  	[tilespmem:s18], [sflag:$0x1] =	stream.indirect_vreg.gather [hbm4b:s5+s3], $0x80, v18, vm0, $0xb8;
	[tilespmem:$0x15900] =	vst v63  }
0x46: {  	_ = 	snop  }
0x47: {  	[tilespmem:s19], [sflag:$0x1] =	stream.indirect_vreg.gather [hbm4b:s6+s3], $0x80, v18, vm0, $0xb8;
	[tilespmem:$0x15900] =	vst v63  }
0x48: {  	_ = 	snop  }
0x49: {  	[tilespmem:s20], [sflag:$0x1] =	stream.indirect_vreg.gather [hbm4b:s7+s3], $0x80, v18, vm0, $0xb8;
	[tilespmem:$0x15900] =	vst v63  }
0x4a: {  	_ = 	snop  }
0x4b: {  	[tilespmem:s21], [sflag:$0x1] =	stream.indirect_vreg.gather [hbm4b:s8+s3], $0x80, v18, vm0, $0xb8;
	[tilespmem:$0x15900] =	vst v63  }
0x4c: {  	v17 =	vld [tilespmem:$0x1810];
	_ =	sdelay $0x4  }
0x4d: {  	v40 =	vshrl.u32 v17, $0x3  }
0x4e: {  	v18 =	vmul.u32 $0x50, v40  }
0x4f: {  	v17 =	vand.u32 $0x7, v17  }
0x50: {  	v17 =	vor.u32 v17, v18  }
0x51: {  	v18 =	vperm.xlane v17, v13;
	_ =	sdelay $0x1  }
0x52: {  	v18 =	vadd.s32 v14, v18;
	_ =	sdelay $0x4  }
0x53: {  	[tilespmem:s22], [sflag:$0x1] =	stream.indirect_vreg.gather [hbm4b:s2+s3], $0x80, v18, vm0, $0xb8;
	[tilespmem:$0x15900] =	vst v63  }
0x54: {  	_ = 	snop  }
0x55: {  	[tilespmem:s23], [sflag:$0x1] =	stream.indirect_vreg.gather [hbm4b:s5+s3], $0x80, v18, vm0, $0xb8;
	[tilespmem:$0x15900] =	vst v63  }
0x56: {  	v17 =	vperm.xlane v17, v15  }
0x57: {  	[tilespmem:s24], [sflag:$0x1] =	stream.indirect_vreg.gather [hbm4b:s6+s3], $0x80, v18, vm0, $0xb8;
	[tilespmem:$0x15900] =	vst v63  }
0x58: {  	v17 =	vadd.s32 v14, v17  }
0x59: {  	[tilespmem:s25], [sflag:$0x1] =	stream.indirect_vreg.gather [hbm4b:s7+s3], $0x80, v18, vm0, $0xb8;
	[tilespmem:$0x15900] =	vst v63  }
0x5a: {  	_ = 	snop  }
0x5b: {  	[tilespmem:s26], [sflag:$0x1] =	stream.indirect_vreg.gather [hbm4b:s8+s3], $0x80, v18, vm0, $0xb8;
	[tilespmem:$0x15900] =	vst v63  }
0x5c: {  	_ = 	snop  }
0x5d: {  	[tilespmem:s28], [sflag:$0x1] =	stream.indirect_vreg.gather [hbm4b:s2+s3], $0x80, v17, vm0, $0xb8;
	[tilespmem:$0x15900] =	vst v63  }
0x5e: {  	_ = 	snop  }
0x5f: {  	v41 =	vadd.s32 v3, v16;
	[tilespmem:s29], [sflag:$0x1] =	stream.indirect_vreg.gather [hbm4b:s5+s3], $0x80, v17, vm0, $0xb8;
	[tilespmem:$0x15900] =	vst v63  }
0x60: {  	vm1 =	vlt.s32 v41, $0x176F  }
0x61: {  	v18 =	vnsel vm1, $0x176F, v41;
	[tilespmem:s30], [sflag:$0x1] =	stream.indirect_vreg.gather [hbm4b:s6+s3], $0x80, v17, vm0, $0xb8;
	[tilespmem:$0x15900] =	vst v63  }
0x62: {  	_ = 	snop  }
0x63: {  	[tilespmem:s31], [sflag:$0x1] =	stream.indirect_vreg.gather [hbm4b:s7+s3], $0x80, v17, vm0, $0xb8;
	[tilespmem:$0x15900] =	vst v63  }
0x64: {  	_ = 	snop  }
0x65: {  	[tilespmem:s12], [sflag:$0x1] =	stream.indirect_vreg.gather [hbm4b:s8+s3], $0x80, v17, vm0, $0xb8;
	[tilespmem:$0x15900] =	vst v63  }
0x66: {  	v17 =	vld.idx.msk [tilespmem:v18+s3+$0x0], $0xffff;
	_ =	sdelay $0x2  }
0x67: {  	v42 =	vadd.s32 v4, v16  }
0x68: {  	vm1 =	vlt.s32 v42, $0x176F  }
0x69: {  	v18 =	vnsel vm1, $0x176F, v42;
	v43 =	vshrl.u32 v17, $0x3  }
0x6a: {  	v19 =	vmul.u32 $0x50, v43  }
0x6b: {  	v44 =	vand.u32 $0x7, v17  }
0x6c: {  	v19 =	vor.u32 v44, v19  }
0x6d: {  	[tilespmem:$0x1880] =	vst v17;
	v17 =	vperm.xlane v19, v13  }
0x6e: {  	v18 =	vld.idx.msk [tilespmem:v18+s3+$0x0], $0xffff  }
0x6f: {  	v17 =	vadd.s32 v14, v17;
	_ =	sdelay $0x3  }
0x70: {  	[tilespmem:$0x1890] =	vst v18  }
0x71: {  	[tilespmem:s0], [sflag:$0x1] =	stream.indirect_vreg.gather [hbm4b:s2+s3], $0x80, v17, vm0, $0xb8;
	[tilespmem:$0x15900] =	vst v63  }
0x72: {  	s11 =	simm.s32 $0xC100  }
0x73: {  	[tilespmem:s11], [sflag:$0x1] =	stream.indirect_vreg.gather [hbm4b:s5+s3], $0x80, v17, vm0, $0xb8;
	[tilespmem:$0x15900] =	vst v63  }
0x74: {  	v45 =	vperm.xlane v19, v15;
	s11 =	simm.s32 $0xC900  }
0x75: {  	[tilespmem:s11], [sflag:$0x1] =	stream.indirect_vreg.gather [hbm4b:s6+s3], $0x80, v17, vm0, $0xb8;
	[tilespmem:$0x15900] =	vst v63  }
0x76: {  	v18 =	vadd.s32 v14, v45;
	s11 =	simm.s32 $0xD100  }
0x77: {  	[tilespmem:s11], [sflag:$0x1] =	stream.indirect_vreg.gather [hbm4b:s7+s3], $0x80, v17, vm0, $0xb8;
	[tilespmem:$0x15900] =	vst v63  }
0x78: {  	s11 =	simm.s32 $0xD900  }
0x79: {  	[tilespmem:s11], [sflag:$0x1] =	stream.indirect_vreg.gather [hbm4b:s8+s3], $0x80, v17, vm0, $0xb8;
	[tilespmem:$0x15900] =	vst v63  }
0x7a: {  	s11 =	simm.s32 $0xE100  }
0x7b: {  	[tilespmem:s11], [sflag:$0x1] =	stream.indirect_vreg.gather [hbm4b:s2+s3], $0x80, v18, vm0, $0xb8;
	[tilespmem:$0x15900] =	vst v63  }
0x7c: {  	s11 =	simm.s32 $0xE900  }
0x7d: {  	[tilespmem:s11], [sflag:$0x1] =	stream.indirect_vreg.gather [hbm4b:s5+s3], $0x80, v18, vm0, $0xb8;
	[tilespmem:$0x15900] =	vst v63  }
0x7e: {  	s11 =	simm.s32 $0xF100  }
0x7f: {  	[tilespmem:s11], [sflag:$0x1] =	stream.indirect_vreg.gather [hbm4b:s6+s3], $0x80, v18, vm0, $0xb8;
	[tilespmem:$0x15900] =	vst v63  }
0x80: {  	s11 =	simm.s32 $0xF900  }
0x81: {  	[tilespmem:s11], [sflag:$0x1] =	stream.indirect_vreg.gather [hbm4b:s7+s3], $0x80, v18, vm0, $0xb8;
	[tilespmem:$0x15900] =	vst v63  }
0x82: {  	s11 =	simm.s32 $0x10100  }
0x83: {  	[tilespmem:s11], [sflag:$0x1] =	stream.indirect_vreg.gather [hbm4b:s8+s3], $0x80, v18, vm0, $0xb8;
	[tilespmem:$0x15900] =	vst v63  }
0x84: {  	v17 =	vld [tilespmem:$0x1890];
	_ =	sdelay $0x4  }
0x85: {  	v46 =	vshrl.u32 v17, $0x3  }
0x86: {  	v18 =	vmul.u32 $0x50, v46  }
0x87: {  	v17 =	vand.u32 $0x7, v17  }
0x88: {  	v17 =	vor.u32 v17, v18  }
0x89: {  	v18 =	vperm.xlane v17, v13;
	_ =	sdelay $0x1  }
0x8a: {  	v18 =	vadd.s32 v14, v18;
	_ =	sdelay $0x3  }
0x8b: {  	s11 =	simm.s32 $0x10900  }
0x8c: {  	[tilespmem:s11], [sflag:$0x1] =	stream.indirect_vreg.gather [hbm4b:s2+s3], $0x80, v18, vm0, $0xb8;
	[tilespmem:$0x15900] =	vst v63  }
0x8d: {  	s11 =	simm.s32 $0x11100  }
0x8e: {  	[tilespmem:s11], [sflag:$0x1] =	stream.indirect_vreg.gather [hbm4b:s5+s3], $0x80, v18, vm0, $0xb8;
	[tilespmem:$0x15900] =	vst v63  }
0x8f: {  	v17 =	vperm.xlane v17, v15;
	s11 =	simm.s32 $0x11900  }
0x90: {  	[tilespmem:s11], [sflag:$0x1] =	stream.indirect_vreg.gather [hbm4b:s6+s3], $0x80, v18, vm0, $0xb8;
	[tilespmem:$0x15900] =	vst v63  }
0x91: {  	v17 =	vadd.s32 v14, v17;
	s11 =	simm.s32 $0x12100  }
0x92: {  	[tilespmem:s11], [sflag:$0x1] =	stream.indirect_vreg.gather [hbm4b:s7+s3], $0x80, v18, vm0, $0xb8;
	[tilespmem:$0x15900] =	vst v63  }
0x93: {  	s11 =	simm.s32 $0x12900  }
0x94: {  	[tilespmem:s11], [sflag:$0x1] =	stream.indirect_vreg.gather [hbm4b:s8+s3], $0x80, v18, vm0, $0xb8;
	[tilespmem:$0x15900] =	vst v63  }
0x95: {  	s11 =	simm.s32 $0x13100  }
0x96: {  	[tilespmem:s11], [sflag:$0x1] =	stream.indirect_vreg.gather [hbm4b:s2+s3], $0x80, v17, vm0, $0xb8;
	[tilespmem:$0x15900] =	vst v63  }
0x97: {  	s11 =	simm.s32 $0x13900  }
0x98: {  	[tilespmem:s11], [sflag:$0x1] =	stream.indirect_vreg.gather [hbm4b:s5+s3], $0x80, v17, vm0, $0xb8;
	[tilespmem:$0x15900] =	vst v63  }
0x99: {  	s11 =	simm.s32 $0x14100  }
0x9a: {  	[tilespmem:s11], [sflag:$0x1] =	stream.indirect_vreg.gather [hbm4b:s6+s3], $0x80, v17, vm0, $0xb8;
	[tilespmem:$0x15900] =	vst v63  }
0x9b: {  	s11 =	simm.s32 $0x14900  }
0x9c: {  	[tilespmem:s11], [sflag:$0x1] =	stream.indirect_vreg.gather [hbm4b:s7+s3], $0x80, v17, vm0, $0xb8;
	[tilespmem:$0x15900] =	vst v63  }
0x9d: {  	s11 =	simm.s32 $0x15100  }
0x9e: {  	[tilespmem:s11], [sflag:$0x1] =	stream.indirect_vreg.gather [hbm4b:s8+s3], $0x80, v17, vm0, $0xb8;
	[tilespmem:$0x15900] =	vst v63  }
0x9f: {  	v17 =	vadd.s32 v5, v16;
	_ =	swait.ge [sflag:s4], $0xA000  }
0xa0: {  	vm1 =	vlt.s32 v17, $0x176F;
	[sflag:s4] =	ssyncset.done $0x0  }
0xa1: {  	s11 =	rddreg [dreg:$0x7];
	v17 =	vnsel vm1, $0x176F, v17;
	[sflag:s4] =	ssyncadd.s32 $0xFFFF6000  }
0xa2: {  	[hbm4b:s11+s3] =	stream.linear.scatter [tilespmem:s10], [sflag:$0x2], $0xA000, $0x38;
	[tilespmem:$0x15900] =	vst v63  }
0xa3: {  	_ =	swait.ge [sflag:s1], $0xA000  }
0xa4: {  	[sflag:s1] =	ssyncset.done $0x0  }
0xa5: {  	[sflag:s1] =	ssyncadd.s32 $0xFFFF6000  }
0xa6: {  	v17 =	vld.idx.msk [tilespmem:v17+s3+$0x0], $0xffff;
	_ =	sdelay $0x2  }
0xa7: {  	v47 =	vadd.s32 v6, v16  }
0xa8: {  	vm1 =	vlt.s32 v47, $0x176F  }
0xa9: {  	v18 =	vnsel vm1, $0x176F, v47;
	v48 =	vshrl.u32 v17, $0x3  }
0xaa: {  	v19 =	vmul.u32 $0x50, v48  }
0xab: {  	v49 =	vand.u32 $0x7, v17  }
0xac: {  	v19 =	vor.u32 v49, v19  }
0xad: {  	[tilespmem:$0x1800] =	vst v17;
	v17 =	vperm.xlane v19, v13  }
0xae: {  	v18 =	vld.idx.msk [tilespmem:v18+s3+$0x0], $0xffff  }
0xaf: {  	v17 =	vadd.s32 v14, v17;
	_ =	sdelay $0x3  }
0xb0: {  	[tilespmem:$0x1810] =	vst v18  }
0xb1: {  	[tilespmem:s10], [sflag:$0x1] =	stream.indirect_vreg.gather [hbm4b:s2+s3], $0x80, v17, vm0, $0xb8;
	[tilespmem:$0x15900] =	vst v63  }
0xb2: {  	_ = 	snop  }
0xb3: {  	[tilespmem:s13], [sflag:$0x1] =	stream.indirect_vreg.gather [hbm4b:s5+s3], $0x80, v17, vm0, $0xb8;
	[tilespmem:$0x15900] =	vst v63  }
0xb4: {  	v50 =	vperm.xlane v19, v15  }
0xb5: {  	[tilespmem:s14], [sflag:$0x1] =	stream.indirect_vreg.gather [hbm4b:s6+s3], $0x80, v17, vm0, $0xb8;
	[tilespmem:$0x15900] =	vst v63  }
0xb6: {  	v18 =	vadd.s32 v14, v50  }
0xb7: {  	[tilespmem:s15], [sflag:$0x1] =	stream.indirect_vreg.gather [hbm4b:s7+s3], $0x80, v17, vm0, $0xb8;
	[tilespmem:$0x15900] =	vst v63  }
0xb8: {  	_ = 	snop  }
0xb9: {  	[tilespmem:s16], [sflag:$0x1] =	stream.indirect_vreg.gather [hbm4b:s8+s3], $0x80, v17, vm0, $0xb8;
	[tilespmem:$0x15900] =	vst v63  }
0xba: {  	_ = 	snop  }
0xbb: {  	[tilespmem:s17], [sflag:$0x1] =	stream.indirect_vreg.gather [hbm4b:s2+s3], $0x80, v18, vm0, $0xb8;
	[tilespmem:$0x15900] =	vst v63  }
0xbc: {  	_ = 	snop  }
0xbd: {  	[tilespmem:s18], [sflag:$0x1] =	stream.indirect_vreg.gather [hbm4b:s5+s3], $0x80, v18, vm0, $0xb8;
	[tilespmem:$0x15900] =	vst v63  }
0xbe: {  	_ = 	snop  }
0xbf: {  	[tilespmem:s19], [sflag:$0x1] =	stream.indirect_vreg.gather [hbm4b:s6+s3], $0x80, v18, vm0, $0xb8;
	[tilespmem:$0x15900] =	vst v63  }
0xc0: {  	_ = 	snop  }
0xc1: {  	[tilespmem:s20], [sflag:$0x1] =	stream.indirect_vreg.gather [hbm4b:s7+s3], $0x80, v18, vm0, $0xb8;
	[tilespmem:$0x15900] =	vst v63  }
0xc2: {  	_ = 	snop  }
0xc3: {  	[tilespmem:s21], [sflag:$0x1] =	stream.indirect_vreg.gather [hbm4b:s8+s3], $0x80, v18, vm0, $0xb8;
	[tilespmem:$0x15900] =	vst v63  }
0xc4: {  	v17 =	vld [tilespmem:$0x1810];
	_ =	sdelay $0x4  }
0xc5: {  	v51 =	vshrl.u32 v17, $0x3  }
0xc6: {  	v18 =	vmul.u32 $0x50, v51  }
0xc7: {  	v17 =	vand.u32 $0x7, v17  }
0xc8: {  	v17 =	vor.u32 v17, v18  }
0xc9: {  	v18 =	vperm.xlane v17, v13;
	_ =	sdelay $0x1  }
0xca: {  	v18 =	vadd.s32 v14, v18;
	_ =	sdelay $0x4  }
0xcb: {  	[tilespmem:s22], [sflag:$0x1] =	stream.indirect_vreg.gather [hbm4b:s2+s3], $0x80, v18, vm0, $0xb8;
	[tilespmem:$0x15900] =	vst v63  }
0xcc: {  	_ = 	snop  }
0xcd: {  	[tilespmem:s23], [sflag:$0x1] =	stream.indirect_vreg.gather [hbm4b:s5+s3], $0x80, v18, vm0, $0xb8;
	[tilespmem:$0x15900] =	vst v63  }
0xce: {  	v17 =	vperm.xlane v17, v15  }
0xcf: {  	[tilespmem:s24], [sflag:$0x1] =	stream.indirect_vreg.gather [hbm4b:s6+s3], $0x80, v18, vm0, $0xb8;
	[tilespmem:$0x15900] =	vst v63  }
0xd0: {  	v17 =	vadd.s32 v14, v17  }
0xd1: {  	[tilespmem:s25], [sflag:$0x1] =	stream.indirect_vreg.gather [hbm4b:s7+s3], $0x80, v18, vm0, $0xb8;
	[tilespmem:$0x15900] =	vst v63  }
0xd2: {  	_ = 	snop  }
0xd3: {  	[tilespmem:s26], [sflag:$0x1] =	stream.indirect_vreg.gather [hbm4b:s8+s3], $0x80, v18, vm0, $0xb8;
	[tilespmem:$0x15900] =	vst v63  }
0xd4: {  	_ = 	snop  }
0xd5: {  	[tilespmem:s28], [sflag:$0x1] =	stream.indirect_vreg.gather [hbm4b:s2+s3], $0x80, v17, vm0, $0xb8;
	[tilespmem:$0x15900] =	vst v63  }
0xd6: {  	_ = 	snop  }
0xd7: {  	[tilespmem:s29], [sflag:$0x1] =	stream.indirect_vreg.gather [hbm4b:s5+s3], $0x80, v17, vm0, $0xb8;
	[tilespmem:$0x15900] =	vst v63  }
0xd8: {  	_ = 	snop  }
0xd9: {  	[tilespmem:s30], [sflag:$0x1] =	stream.indirect_vreg.gather [hbm4b:s6+s3], $0x80, v17, vm0, $0xb8;
	[tilespmem:$0x15900] =	vst v63  }
0xda: {  	_ = 	snop  }
0xdb: {  	[tilespmem:s31], [sflag:$0x1] =	stream.indirect_vreg.gather [hbm4b:s7+s3], $0x80, v17, vm0, $0xb8;
	[tilespmem:$0x15900] =	vst v63  }
0xdc: {  	_ = 	snop  }
0xdd: {  	[tilespmem:s12], [sflag:$0x1] =	stream.indirect_vreg.gather [hbm4b:s8+s3], $0x80, v17, vm0, $0xb8;
	[tilespmem:$0x15900] =	vst v63  }
0xde: {  	v17 =	vadd.s32 v7, v16;
	_ =	swait.ge [sflag:s4], $0xA000  }
0xdf: {  	vm1 =	vlt.s32 v17, $0x176F;
	[sflag:s4] =	ssyncset.done $0x0  }
0xe0: {  	s11 =	rddreg [dreg:$0x8];
	v17 =	vnsel vm1, $0x176F, v17;
	[sflag:s4] =	ssyncadd.s32 $0xFFFF6000  }
0xe1: {  	[hbm4b:s11+s3] =	stream.linear.scatter [tilespmem:s0], [sflag:$0x2], $0xA000, $0x38;
	[tilespmem:$0x15900] =	vst v63  }
0xe2: {  	_ =	swait.ge [sflag:s1], $0xA000  }
0xe3: {  	[sflag:s1] =	ssyncset.done $0x0  }
0xe4: {  	[sflag:s1] =	ssyncadd.s32 $0xFFFF6000  }
0xe5: {  	v17 =	vld.idx.msk [tilespmem:v17+s3+$0x0], $0xffff;
	_ =	sdelay $0x2  }
0xe6: {  	v52 =	vadd.s32 v8, v16  }
0xe7: {  	vm1 =	vlt.s32 v52, $0x176F  }
0xe8: {  	v18 =	vnsel vm1, $0x176F, v52;
	v53 =	vshrl.u32 v17, $0x3  }
0xe9: {  	v19 =	vmul.u32 $0x50, v53  }
0xea: {  	v54 =	vand.u32 $0x7, v17  }
0xeb: {  	v19 =	vor.u32 v54, v19  }
0xec: {  	[tilespmem:$0x1880] =	vst v17;
	v17 =	vperm.xlane v19, v13  }
0xed: {  	v18 =	vld.idx.msk [tilespmem:v18+s3+$0x0], $0xffff  }
0xee: {  	v17 =	vadd.s32 v14, v17;
	_ =	sdelay $0x3  }
0xef: {  	[tilespmem:$0x1890] =	vst v18  }
0xf0: {  	[tilespmem:s0], [sflag:$0x1] =	stream.indirect_vreg.gather [hbm4b:s2+s3], $0x80, v17, vm0, $0xb8;
	[tilespmem:$0x15900] =	vst v63  }
0xf1: {  	s11 =	simm.s32 $0xC100  }
0xf2: {  	[tilespmem:s11], [sflag:$0x1] =	stream.indirect_vreg.gather [hbm4b:s5+s3], $0x80, v17, vm0, $0xb8;
	[tilespmem:$0x15900] =	vst v63  }
0xf3: {  	v55 =	vperm.xlane v19, v15;
	s11 =	simm.s32 $0xC900  }
0xf4: {  	[tilespmem:s11], [sflag:$0x1] =	stream.indirect_vreg.gather [hbm4b:s6+s3], $0x80, v17, vm0, $0xb8;
	[tilespmem:$0x15900] =	vst v63  }
0xf5: {  	v18 =	vadd.s32 v14, v55;
	s11 =	simm.s32 $0xD100  }
0xf6: {  	[tilespmem:s11], [sflag:$0x1] =	stream.indirect_vreg.gather [hbm4b:s7+s3], $0x80, v17, vm0, $0xb8;
	[tilespmem:$0x15900] =	vst v63  }
0xf7: {  	s11 =	simm.s32 $0xD900  }
0xf8: {  	[tilespmem:s11], [sflag:$0x1] =	stream.indirect_vreg.gather [hbm4b:s8+s3], $0x80, v17, vm0, $0xb8;
	[tilespmem:$0x15900] =	vst v63  }
0xf9: {  	s11 =	simm.s32 $0xE100  }
0xfa: {  	[tilespmem:s11], [sflag:$0x1] =	stream.indirect_vreg.gather [hbm4b:s2+s3], $0x80, v18, vm0, $0xb8;
	[tilespmem:$0x15900] =	vst v63  }
0xfb: {  	s11 =	simm.s32 $0xE900  }
0xfc: {  	[tilespmem:s11], [sflag:$0x1] =	stream.indirect_vreg.gather [hbm4b:s5+s3], $0x80, v18, vm0, $0xb8;
	[tilespmem:$0x15900] =	vst v63  }
0xfd: {  	s11 =	simm.s32 $0xF100  }
0xfe: {  	[tilespmem:s11], [sflag:$0x1] =	stream.indirect_vreg.gather [hbm4b:s6+s3], $0x80, v18, vm0, $0xb8;
	[tilespmem:$0x15900] =	vst v63  }
0xff: {  	s11 =	simm.s32 $0xF900  }
0x100: {  	[tilespmem:s11], [sflag:$0x1] =	stream.indirect_vreg.gather [hbm4b:s7+s3], $0x80, v18, vm0, $0xb8;
	[tilespmem:$0x15900] =	vst v63  }
0x101: {  	s11 =	simm.s32 $0x10100  }
0x102: {  	[tilespmem:s11], [sflag:$0x1] =	stream.indirect_vreg.gather [hbm4b:s8+s3], $0x80, v18, vm0, $0xb8;
	[tilespmem:$0x15900] =	vst v63  }
0x103: {  	v17 =	vld [tilespmem:$0x1890];
	_ =	sdelay $0x4  }
0x104: {  	v56 =	vshrl.u32 v17, $0x3  }
0x105: {  	v18 =	vmul.u32 $0x50, v56  }
0x106: {  	v17 =	vand.u32 $0x7, v17  }
0x107: {  	v17 =	vor.u32 v17, v18  }
0x108: {  	v18 =	vperm.xlane v17, v13;
	_ =	sdelay $0x1  }
0x109: {  	v18 =	vadd.s32 v14, v18;
	_ =	sdelay $0x3  }
0x10a: {  	s11 =	simm.s32 $0x10900  }
0x10b: {  	[tilespmem:s11], [sflag:$0x1] =	stream.indirect_vreg.gather [hbm4b:s2+s3], $0x80, v18, vm0, $0xb8;
	[tilespmem:$0x15900] =	vst v63  }
0x10c: {  	s11 =	simm.s32 $0x11100  }
0x10d: {  	[tilespmem:s11], [sflag:$0x1] =	stream.indirect_vreg.gather [hbm4b:s5+s3], $0x80, v18, vm0, $0xb8;
	[tilespmem:$0x15900] =	vst v63  }
0x10e: {  	v17 =	vperm.xlane v17, v15;
	s11 =	simm.s32 $0x11900  }
0x10f: {  	[tilespmem:s11], [sflag:$0x1] =	stream.indirect_vreg.gather [hbm4b:s6+s3], $0x80, v18, vm0, $0xb8;
	[tilespmem:$0x15900] =	vst v63  }
0x110: {  	v17 =	vadd.s32 v14, v17;
	s11 =	simm.s32 $0x12100  }
0x111: {  	[tilespmem:s11], [sflag:$0x1] =	stream.indirect_vreg.gather [hbm4b:s7+s3], $0x80, v18, vm0, $0xb8;
	[tilespmem:$0x15900] =	vst v63  }
0x112: {  	s11 =	simm.s32 $0x12900  }
0x113: {  	[tilespmem:s11], [sflag:$0x1] =	stream.indirect_vreg.gather [hbm4b:s8+s3], $0x80, v18, vm0, $0xb8;
	[tilespmem:$0x15900] =	vst v63  }
0x114: {  	s11 =	simm.s32 $0x13100  }
0x115: {  	[tilespmem:s11], [sflag:$0x1] =	stream.indirect_vreg.gather [hbm4b:s2+s3], $0x80, v17, vm0, $0xb8;
	[tilespmem:$0x15900] =	vst v63  }
0x116: {  	s11 =	simm.s32 $0x13900  }
0x117: {  	[tilespmem:s11], [sflag:$0x1] =	stream.indirect_vreg.gather [hbm4b:s5+s3], $0x80, v17, vm0, $0xb8;
	[tilespmem:$0x15900] =	vst v63  }
0x118: {  	s11 =	simm.s32 $0x14100  }
0x119: {  	[tilespmem:s11], [sflag:$0x1] =	stream.indirect_vreg.gather [hbm4b:s6+s3], $0x80, v17, vm0, $0xb8;
	[tilespmem:$0x15900] =	vst v63  }
0x11a: {  	s11 =	simm.s32 $0x14900  }
0x11b: {  	[tilespmem:s11], [sflag:$0x1] =	stream.indirect_vreg.gather [hbm4b:s7+s3], $0x80, v17, vm0, $0xb8;
	[tilespmem:$0x15900] =	vst v63  }
0x11c: {  	s11 =	simm.s32 $0x15100  }
0x11d: {  	[tilespmem:s11], [sflag:$0x1] =	stream.indirect_vreg.gather [hbm4b:s8+s3], $0x80, v17, vm0, $0xb8;
	[tilespmem:$0x15900] =	vst v63  }
0x11e: {  	v17 =	vadd.s32 v9, v16;
	_ =	swait.ge [sflag:s4], $0xA000  }
0x11f: {  	vm1 =	vlt.s32 v17, $0x176F;
	[sflag:s4] =	ssyncset.done $0x0  }
0x120: {  	s11 =	rddreg [dreg:$0x9];
	v17 =	vnsel vm1, $0x176F, v17;
	[sflag:s4] =	ssyncadd.s32 $0xFFFF6000  }
0x121: {  	[hbm4b:s11+s3] =	stream.linear.scatter [tilespmem:s10], [sflag:$0x2], $0xA000, $0x38;
	[tilespmem:$0x15900] =	vst v63  }
0x122: {  	_ =	swait.ge [sflag:s1], $0xA000  }
0x123: {  	[sflag:s1] =	ssyncset.done $0x0  }
0x124: {  	[sflag:s1] =	ssyncadd.s32 $0xFFFF6000  }
0x125: {  	v17 =	vld.idx.msk [tilespmem:v17+s3+$0x0], $0xffff;
	_ =	sdelay $0x2  }
0x126: {  	v57 =	vadd.s32 v10, v16  }
0x127: {  	vm1 =	vlt.s32 v57, $0x176F  }
0x128: {  	v18 =	vnsel vm1, $0x176F, v57;
	v58 =	vshrl.u32 v17, $0x3  }
0x129: {  	v19 =	vmul.u32 $0x50, v58  }
0x12a: {  	v59 =	vand.u32 $0x7, v17  }
0x12b: {  	v19 =	vor.u32 v59, v19  }
0x12c: {  	[tilespmem:$0x1800] =	vst v17;
	v17 =	vperm.xlane v19, v13  }
0x12d: {  	v18 =	vld.idx.msk [tilespmem:v18+s3+$0x0], $0xffff  }
0x12e: {  	v17 =	vadd.s32 v14, v17;
	_ =	sdelay $0x3  }
0x12f: {  	[tilespmem:$0x1810] =	vst v18  }
0x130: {  	[tilespmem:s10], [sflag:$0x1] =	stream.indirect_vreg.gather [hbm4b:s2+s3], $0x80, v17, vm0, $0xb8;
	[tilespmem:$0x15900] =	vst v63  }
0x131: {  	_ = 	snop  }
0x132: {  	[tilespmem:s13], [sflag:$0x1] =	stream.indirect_vreg.gather [hbm4b:s5+s3], $0x80, v17, vm0, $0xb8;
	[tilespmem:$0x15900] =	vst v63  }
0x133: {  	v60 =	vperm.xlane v19, v15  }
0x134: {  	[tilespmem:s14], [sflag:$0x1] =	stream.indirect_vreg.gather [hbm4b:s6+s3], $0x80, v17, vm0, $0xb8;
	[tilespmem:$0x15900] =	vst v63  }
0x135: {  	v18 =	vadd.s32 v14, v60  }
0x136: {  	[tilespmem:s15], [sflag:$0x1] =	stream.indirect_vreg.gather [hbm4b:s7+s3], $0x80, v17, vm0, $0xb8;
	[tilespmem:$0x15900] =	vst v63  }
0x137: {  	_ = 	snop  }
0x138: {  	[tilespmem:s16], [sflag:$0x1] =	stream.indirect_vreg.gather [hbm4b:s8+s3], $0x80, v17, vm0, $0xb8;
	[tilespmem:$0x15900] =	vst v63  }
0x139: {  	_ = 	snop  }
0x13a: {  	[tilespmem:s17], [sflag:$0x1] =	stream.indirect_vreg.gather [hbm4b:s2+s3], $0x80, v18, vm0, $0xb8;
	[tilespmem:$0x15900] =	vst v63  }
0x13b: {  	_ = 	snop  }
0x13c: {  	[tilespmem:s18], [sflag:$0x1] =	stream.indirect_vreg.gather [hbm4b:s5+s3], $0x80, v18, vm0, $0xb8;
	[tilespmem:$0x15900] =	vst v63  }
0x13d: {  	_ = 	snop  }
0x13e: {  	[tilespmem:s19], [sflag:$0x1] =	stream.indirect_vreg.gather [hbm4b:s6+s3], $0x80, v18, vm0, $0xb8;
	[tilespmem:$0x15900] =	vst v63  }
0x13f: {  	_ = 	snop  }
0x140: {  	[tilespmem:s20], [sflag:$0x1] =	stream.indirect_vreg.gather [hbm4b:s7+s3], $0x80, v18, vm0, $0xb8;
	[tilespmem:$0x15900] =	vst v63  }
0x141: {  	_ = 	snop  }
0x142: {  	[tilespmem:s21], [sflag:$0x1] =	stream.indirect_vreg.gather [hbm4b:s8+s3], $0x80, v18, vm0, $0xb8;
	[tilespmem:$0x15900] =	vst v63  }
0x143: {  	v17 =	vld [tilespmem:$0x1810];
	_ =	sdelay $0x4  }
0x144: {  	v61 =	vshrl.u32 v17, $0x3  }
0x145: {  	v18 =	vmul.u32 $0x50, v61  }
0x146: {  	v17 =	vand.u32 $0x7, v17  }
0x147: {  	v17 =	vor.u32 v17, v18  }
0x148: {  	v18 =	vperm.xlane v17, v13;
	_ =	sdelay $0x1  }
0x149: {  	v18 =	vadd.s32 v14, v18;
	_ =	sdelay $0x4  }
0x14a: {  	[tilespmem:s22], [sflag:$0x1] =	stream.indirect_vreg.gather [hbm4b:s2+s3], $0x80, v18, vm0, $0xb8;
	[tilespmem:$0x15900] =	vst v63  }
0x14b: {  	_ = 	snop  }
0x14c: {  	[tilespmem:s23], [sflag:$0x1] =	stream.indirect_vreg.gather [hbm4b:s5+s3], $0x80, v18, vm0, $0xb8;
	[tilespmem:$0x15900] =	vst v63  }
0x14d: {  	v17 =	vperm.xlane v17, v15  }
0x14e: {  	[tilespmem:s24], [sflag:$0x1] =	stream.indirect_vreg.gather [hbm4b:s6+s3], $0x80, v18, vm0, $0xb8;
	[tilespmem:$0x15900] =	vst v63  }
0x14f: {  	v17 =	vadd.s32 v14, v17  }
0x150: {  	[tilespmem:s25], [sflag:$0x1] =	stream.indirect_vreg.gather [hbm4b:s7+s3], $0x80, v18, vm0, $0xb8;
	[tilespmem:$0x15900] =	vst v63  }
0x151: {  	_ = 	snop  }
0x152: {  	[tilespmem:s26], [sflag:$0x1] =	stream.indirect_vreg.gather [hbm4b:s8+s3], $0x80, v18, vm0, $0xb8;
	[tilespmem:$0x15900] =	vst v63  }
0x153: {  	_ = 	snop  }
0x154: {  	[tilespmem:s28], [sflag:$0x1] =	stream.indirect_vreg.gather [hbm4b:s2+s3], $0x80, v17, vm0, $0xb8;
	[tilespmem:$0x15900] =	vst v63  }
0x155: {  	_ = 	snop  }
0x156: {  	[tilespmem:s29], [sflag:$0x1] =	stream.indirect_vreg.gather [hbm4b:s5+s3], $0x80, v17, vm0, $0xb8;
	[tilespmem:$0x15900] =	vst v63  }
0x157: {  	_ = 	snop  }
0x158: {  	[tilespmem:s30], [sflag:$0x1] =	stream.indirect_vreg.gather [hbm4b:s6+s3], $0x80, v17, vm0, $0xb8;
	[tilespmem:$0x15900] =	vst v63  }
0x159: {  	_ = 	snop  }
0x15a: {  	[tilespmem:s31], [sflag:$0x1] =	stream.indirect_vreg.gather [hbm4b:s7+s3], $0x80, v17, vm0, $0xb8;
	[tilespmem:$0x15900] =	vst v63  }
0x15b: {  	_ = 	snop  }
0x15c: {  	[tilespmem:s12], [sflag:$0x1] =	stream.indirect_vreg.gather [hbm4b:s8+s3], $0x80, v17, vm0, $0xb8;
	[tilespmem:$0x15900] =	vst v63  }
0x15d: {  	v17 =	vadd.s32 v11, v16;
	_ =	swait.ge [sflag:s4], $0xA000  }
0x15e: {  	vm1 =	vlt.s32 v17, $0x176F;
	[sflag:s4] =	ssyncset.done $0x0  }
0x15f: {  	s13 =	rddreg [dreg:$0xa];
	v17 =	vnsel vm1, $0x176F, v17;
	[sflag:s4] =	ssyncadd.s32 $0xFFFF6000  }
0x160: {  	[hbm4b:s13+s3] =	stream.linear.scatter [tilespmem:s0], [sflag:$0x2], $0xA000, $0x38;
	[tilespmem:$0x15900] =	vst v63  }
0x161: {  	_ =	swait.ge [sflag:s1], $0xA000  }
0x162: {  	[sflag:s1] =	ssyncset.done $0x0  }
0x163: {  	[sflag:s1] =	ssyncadd.s32 $0xFFFF6000  }
0x164: {  	v17 =	vld.idx.msk [tilespmem:v17+s3+$0x0], $0xffff;
	_ =	sdelay $0x2  }
0x165: {  	v16 =	vadd.s32 v12, v16  }
0x166: {  	vm1 =	vlt.s32 v16, $0x176F  }
0x167: {  	v16 =	vnsel vm1, $0x176F, v16;
	v62 =	vshrl.u32 v17, $0x3  }
0x168: {  	v18 =	vmul.u32 $0x50, v62  }
0x169: {  	v63 =	vand.u32 $0x7, v17  }
0x16a: {  	v18 =	vor.u32 v63, v18  }
0x16b: {  	[tilespmem:$0x1880] =	vst v17;
	v17 =	vperm.xlane v18, v13  }
0x16c: {  	v16 =	vld.idx.msk [tilespmem:v16+s3+$0x0], $0xffff  }
0x16d: {  	v17 =	vadd.s32 v14, v17;
	_ =	sdelay $0x3  }
0x16e: {  	[tilespmem:$0x1890] =	vst v16  }
0x16f: {  	[tilespmem:s0], [sflag:$0x1] =	stream.indirect_vreg.gather [hbm4b:s2+s3], $0x80, v17, vm0, $0xb8;
	[tilespmem:$0x15900] =	vst v63  }
0x170: {  	s13 =	simm.s32 $0xC100  }
0x171: {  	[tilespmem:s13], [sflag:$0x1] =	stream.indirect_vreg.gather [hbm4b:s5+s3], $0x80, v17, vm0, $0xb8;
	[tilespmem:$0x15900] =	vst v63  }
0x172: {  	v16 =	vperm.xlane v18, v15;
	s13 =	simm.s32 $0xC900  }
0x173: {  	[tilespmem:s13], [sflag:$0x1] =	stream.indirect_vreg.gather [hbm4b:s6+s3], $0x80, v17, vm0, $0xb8;
	[tilespmem:$0x15900] =	vst v63  }
0x174: {  	v16 =	vadd.s32 v14, v16;
	s13 =	simm.s32 $0xD100  }
0x175: {  	[tilespmem:s13], [sflag:$0x1] =	stream.indirect_vreg.gather [hbm4b:s7+s3], $0x80, v17, vm0, $0xb8;
	[tilespmem:$0x15900] =	vst v63  }
0x176: {  	s13 =	simm.s32 $0xD900  }
0x177: {  	[tilespmem:s13], [sflag:$0x1] =	stream.indirect_vreg.gather [hbm4b:s8+s3], $0x80, v17, vm0, $0xb8;
	[tilespmem:$0x15900] =	vst v63  }
0x178: {  	s13 =	simm.s32 $0xE100  }
0x179: {  	[tilespmem:s13], [sflag:$0x1] =	stream.indirect_vreg.gather [hbm4b:s2+s3], $0x80, v16, vm0, $0xb8;
	[tilespmem:$0x15900] =	vst v63  }
0x17a: {  	s13 =	simm.s32 $0xE900  }
0x17b: {  	[tilespmem:s13], [sflag:$0x1] =	stream.indirect_vreg.gather [hbm4b:s5+s3], $0x80, v16, vm0, $0xb8;
	[tilespmem:$0x15900] =	vst v63  }
0x17c: {  	s13 =	simm.s32 $0xF100  }
0x17d: {  	[tilespmem:s13], [sflag:$0x1] =	stream.indirect_vreg.gather [hbm4b:s6+s3], $0x80, v16, vm0, $0xb8;
	[tilespmem:$0x15900] =	vst v63  }
0x17e: {  	s13 =	simm.s32 $0xF900  }
0x17f: {  	[tilespmem:s13], [sflag:$0x1] =	stream.indirect_vreg.gather [hbm4b:s7+s3], $0x80, v16, vm0, $0xb8;
	[tilespmem:$0x15900] =	vst v63  }
0x180: {  	s13 =	simm.s32 $0x10100  }
0x181: {  	[tilespmem:s13], [sflag:$0x1] =	stream.indirect_vreg.gather [hbm4b:s8+s3], $0x80, v16, vm0, $0xb8;
	[tilespmem:$0x15900] =	vst v63  }
0x182: {  	v16 =	vld [tilespmem:$0x1890];
	_ =	sdelay $0x4  }
0x183: {  	v17 =	vshrl.u32 v16, $0x3  }
0x184: {  	v17 =	vmul.u32 $0x50, v17  }
0x185: {  	v16 =	vand.u32 $0x7, v16  }
0x186: {  	v16 =	vor.u32 v16, v17  }
0x187: {  	v17 =	vperm.xlane v16, v13;
	_ =	sdelay $0x1  }
0x188: {  	v17 =	vadd.s32 v14, v17;
	_ =	sdelay $0x3  }
0x189: {  	s13 =	simm.s32 $0x10900  }
0x18a: {  	[tilespmem:s13], [sflag:$0x1] =	stream.indirect_vreg.gather [hbm4b:s2+s3], $0x80, v17, vm0, $0xb8;
	[tilespmem:$0x15900] =	vst v63  }
0x18b: {  	s13 =	simm.s32 $0x11100  }
0x18c: {  	[tilespmem:s13], [sflag:$0x1] =	stream.indirect_vreg.gather [hbm4b:s5+s3], $0x80, v17, vm0, $0xb8;
	[tilespmem:$0x15900] =	vst v63  }
0x18d: {  	v16 =	vperm.xlane v16, v15;
	s13 =	simm.s32 $0x11900  }
0x18e: {  	[tilespmem:s13], [sflag:$0x1] =	stream.indirect_vreg.gather [hbm4b:s6+s3], $0x80, v17, vm0, $0xb8;
	[tilespmem:$0x15900] =	vst v63  }
0x18f: {  	v16 =	vadd.s32 v14, v16;
	s13 =	simm.s32 $0x12100  }
0x190: {  	[tilespmem:s13], [sflag:$0x1] =	stream.indirect_vreg.gather [hbm4b:s7+s3], $0x80, v17, vm0, $0xb8;
	[tilespmem:$0x15900] =	vst v63  }
0x191: {  	s13 =	simm.s32 $0x12900  }
0x192: {  	[tilespmem:s13], [sflag:$0x1] =	stream.indirect_vreg.gather [hbm4b:s8+s3], $0x80, v17, vm0, $0xb8;
	[tilespmem:$0x15900] =	vst v63  }
0x193: {  	s13 =	simm.s32 $0x13100  }
0x194: {  	[tilespmem:s13], [sflag:$0x1] =	stream.indirect_vreg.gather [hbm4b:s2+s3], $0x80, v16, vm0, $0xb8;
	[tilespmem:$0x15900] =	vst v63  }
0x195: {  	s13 =	simm.s32 $0x13900  }
0x196: {  	[tilespmem:s13], [sflag:$0x1] =	stream.indirect_vreg.gather [hbm4b:s5+s3], $0x80, v16, vm0, $0xb8;
	[tilespmem:$0x15900] =	vst v63  }
0x197: {  	s13 =	simm.s32 $0x14100  }
0x198: {  	[tilespmem:s13], [sflag:$0x1] =	stream.indirect_vreg.gather [hbm4b:s6+s3], $0x80, v16, vm0, $0xb8;
	[tilespmem:$0x15900] =	vst v63  }
0x199: {  	s13 =	simm.s32 $0x14900  }
0x19a: {  	[tilespmem:s13], [sflag:$0x1] =	stream.indirect_vreg.gather [hbm4b:s7+s3], $0x80, v16, vm0, $0xb8;
	[tilespmem:$0x15900] =	vst v63  }
0x19b: {  	s13 =	simm.s32 $0x15100  }
0x19c: {  	[tilespmem:s13], [sflag:$0x1] =	stream.indirect_vreg.gather [hbm4b:s8+s3], $0x80, v16, vm0, $0xb8;
	[tilespmem:$0x15900] =	vst v63  }
0x19d: {  	_ =	swait.ge [sflag:s4], $0xA000  }
0x19e: {  	[sflag:s4] =	ssyncset.done $0x0  }
0x19f: {  	s13 =	rddreg [dreg:$0xb];
	[sflag:s4] =	ssyncadd.s32 $0xFFFF6000  }
0x1a0: {  	[hbm4b:s13+s3] =	stream.linear.scatter [tilespmem:s10], [sflag:$0x2], $0xA000, $0x38;
	[tilespmem:$0x15900] =	vst v63  }
0x1a1: {  	_ =	swait.ge [sflag:s1], $0xA000  }
0x1a2: {  	[sflag:s1] =	ssyncset.done $0x0  }
0x1a3: {  	[sflag:s1] =	ssyncadd.s32 $0xFFFF6000  }
0x1a4: {  	_ =	swait.ge [sflag:s4], $0xA000  }
0x1a5: {  	p0 =	sne.s32 s9, $0x1;
	[sflag:s4] =	ssyncset.done $0x0  }
.Ltmp0:
0x1a6: {  	s13 =	rddreg [dreg:$0xc];
	[sflag:s4] =	ssyncadd.s32 $0xFFFF6000;
	(pc) =	sbr.rel @p0 .LBB2_1-.Ltmp0, $4  }
0x1a7: {  	[hbm4b:s13+s3] =	stream.linear.scatter [tilespmem:s0], [sflag:$0x2], $0xA000, $0x38;
	[tilespmem:$0x15900] =	vst v63  }
0x1a8: {  	_ =	swait.ge [sflag:s1], $0xA000  }
0x1a9: {  	[sflag:s1] =	ssyncset.done $0x0  }
0x1aa: {  	s9 =	sadd.s32 $0xFFFFFFFF, s9;
	[sflag:s1] =	ssyncadd.s32 $0xFFFF6000  }
0x1ab: {  	_ =	sfence.sel $0x180000  }
0x1ac: {  	[bflag:$0x0] =	sbarrier.arrive $0xFFFF  }
0x1ad: {  	_ =	strace $0x90000047  }
0x1ae: {  	s0 =	stileid.u32;
	[bflag:$0x2] =	sbarrier.arrive $0xFFFF  }
0x1af: {  	p0 =	sne.s32 s0, $0x0;
	s0 =	rddreg [dreg:$0x4]  }
0x1b0: {  	s0 =	sadd.s32 @!p0 $0x100000, s0  }
0x1b1: {  	[sflag:s0] =	ssyncadd.tile.s32 @!p0 $0x1;
	_ =	shalt  }
.Lfunc_end2:
_tile_overlayer_lowered:
.L_overlay_start_2:
0x1b2: {  	(tag) =	ssettag $0x2  }
0x1b3: {  	s0 =	rddreg [dreg:$0x0];
	s2 =	stileid.u32  }
0x1b4: {  	s1 =	rddreg [dreg:$0x1];
	p0 =	sne.s32 s2, $0x0  }
0x1b5: {  	s3 =	rddreg [dreg:$0x2];
	[bflag:$0x3] =	sbarrier.arrive $0xFFFF;
	s2 =	simm.s32 @!p0 $0x1C03  }
0x1b6: {  	[timem:s3], [sflag:s2] =	dma.local @!p0 [hbm:s0], s1  }
0x1b7: {  	s0 =	simm.s32 @!p0 $0x3  }
0x1b8: {  	_ =	swait.ge @!p0 [sflag:s0], s1  }
0x1b9: {  	s1 =	ssub.s32 @!p0 $0x0, s1;
	[sflag:s0] =	ssyncset.done @!p0 $0x0  }
0x1ba: {  	[sflag:s0] =	ssyncadd.s32 @!p0 s1  }
0x1bb: {  	[bflag:$0x3] =	sbarrier.arrive $0xFFFF  }
0x1bc: {  	_ =	shalt  }

</sc_bundles>
